<compile_context>
chip_gen: v7x
topology: tpu7x:2x2x1
jax: 0.10.2.dev20260603
libtpu: 0.0.44.dev20260713+nightly
codegen_flags: <defaults>
</compile_context>

<pallas_src>
import jax
import jax.numpy as jnp
from jax import lax
from jax.experimental import pallas as pl
from jax.experimental.pallas import tpu as pltpu
from jax.experimental.pallas import tpu_sc as plsc

_NEG_SLOPE = 0.2
_LANES = 16


def _make_sc_count(n, e_pad, rows_per_w):

    def body(src_hbm, dst_hbm, out_hbm, src_v, dst_v, tab_v):
        info = plsc.get_sparse_core_info()
        nc = info.num_cores
        wid = lax.axis_index("s") * nc + lax.axis_index("c")
        lo = wid * rows_per_w
        pltpu.sync_copy(src_hbm, src_v)
        pltpu.sync_copy(dst_hbm, dst_v)

        zeros = jnp.zeros((_LANES,), jnp.float32)

        def zero_row(r, carry):
            for cc in range(n // _LANES):
                tab_v[r, pl.ds(cc * _LANES, _LANES)] = zeros
            return carry

        lax.fori_loop(0, rows_per_w, zero_row, 0)

        lane = lax.iota(jnp.int32, 16)
        cbase, _ = plsc.scan_count(lane)
        base = jnp.max(cbase)

        plsc.addupdate_scatter(tab_v, [lane, lo + lane],
                               jnp.ones((_LANES,), jnp.float32))

        def step(j, carry):
            d = dst_v[pl.ds(j * _LANES, _LANES)]
            s = src_v[pl.ds(j * _LANES, _LANES)]
            dl = d - lo
            valid = (dl >= 0) & (dl < rows_per_w)
            key = jnp.where(valid, dl * n + s, rows_per_w * n + lane)
            c, last = plsc.scan_count(key)
            val = (c - base + 1).astype(jnp.float32)
            plsc.addupdate_scatter(
                tab_v,
                [jnp.where(valid, dl, 0), jnp.where(valid, s, 0)],
                val, mask=valid & last)
            return carry

        lax.fori_loop(0, e_pad // _LANES, step, 0)
        pltpu.sync_copy(tab_v, out_hbm.at[pl.ds(lo, rows_per_w), :])

    mesh = plsc.VectorSubcoreMesh(core_axis_name="c", subcore_axis_name="s")
    return pl.kernel(
        body, mesh=mesh,
        compiler_params=pltpu.CompilerParams(needs_layout_passes=False),
        out_type=jax.ShapeDtypeStruct((n, n), jnp.float32),
        scratch_types=[
            pltpu.VMEM((e_pad,), jnp.int32),
            pltpu.VMEM((e_pad,), jnp.int32),
            pltpu.VMEM((rows_per_w, n), jnp.float32),
        ])


def _make_gat_body(heads):
    def _gat_body(x_ref, cnt_ref, w_ref, amat_ref, b_ref, o_ref, cs_ref):
        f = w_ref.shape[1]
        o = f // heads
        n = cnt_ref.shape[0]

        @pl.when(pl.program_id(0) == 0)
        def _():
            c = cnt_ref[...]
            cs_ref[...] = (c * (1.0 / jnp.max(c))).astype(jnp.bfloat16)

        xb = x_ref[0]
        h = jnp.dot(xb.astype(jnp.bfloat16), w_ref[...].astype(jnp.bfloat16),
                    preferred_element_type=jnp.float32)
        hb = h.astype(jnp.bfloat16)
        ones = jnp.ones((n, 1), jnp.bfloat16)
        hext = jnp.concatenate(
            sum([[hb[:, hd * o:(hd + 1) * o], ones] for hd in range(heads)],
                []), axis=1)
        al = jnp.dot(hb, amat_ref[...], preferred_element_type=jnp.float32)
        alt = al.T
        maxs = jnp.max(al, axis=0, keepdims=True)
        cnt = cs_ref[...]
        for hd in range(heads):
            a_s = alt[hd:hd + 1, :]
            a_d = al[:, heads + hd:heads + hd + 1]
            u = a_d + maxs[0:1, hd:hd + 1]
            q = -jnp.maximum(u, _NEG_SLOPE * u)
            rp = jnp.exp(u + q).astype(jnp.bfloat16)
            rn = jnp.exp(_NEG_SLOPE * u + q).astype(jnp.bfloat16)
            sm = a_s - maxs[0:1, hd:hd + 1]
            cp = jnp.exp(sm).astype(jnp.bfloat16)
            cn = jnp.exp(_NEG_SLOPE * sm).astype(jnp.bfloat16)
            ex = jnp.maximum(rp * cp, rn * cn) * cnt
            od = jnp.dot(ex,
                         hext[:, hd * (o + 1):(hd + 1) * (o + 1)],
                         preferred_element_type=jnp.float32)
            den = od[:, o:o + 1]
            ob = (od[:, :o] * (1.0 / (den + 1e-16))
                  + b_ref[0, hd * o:(hd + 1) * o][None, :])
            o_ref[0, :, hd * o:(hd + 1) * o] = jnp.maximum(ob, _NEG_SLOPE * ob)

    return _gat_body


def kernel(x, edge_index, W, att_src, att_dst, bias):
    B, C, T, D = x.shape
    F = W.shape[1]
    H = att_src.shape[0]
    O = F // H
    N = C
    E = edge_index.shape[1]
    ei = edge_index.astype(jnp.int32)

    info = plsc.get_sparse_core_info()
    n_workers = info.num_cores * info.num_subcores
    rows_per_w = N // n_workers
    pad = (-E) % _LANES
    if pad:
        ei = jnp.concatenate(
            [ei, jnp.full((2, pad), -1, jnp.int32)], axis=1)
    cnt = _make_sc_count(N, E + pad, rows_per_w)(ei[0], ei[1])

    asf = att_src.reshape(F)
    adf = att_dst.reshape(F)
    fhead = jnp.arange(F, dtype=jnp.int32) // O
    sel = (fhead[:, None] == jnp.arange(H, dtype=jnp.int32)[None, :])
    amat = jnp.concatenate(
        [jnp.where(sel, asf[:, None], 0.0), jnp.where(sel, adf[:, None], 0.0)],
        axis=1).astype(jnp.bfloat16)
    bf = bias.reshape(1, F)

    xv = x.reshape(B, C, T * D)
    out = pl.pallas_call(
        _make_gat_body(H),
        grid=(B * T,),
        in_specs=[
            pl.BlockSpec((1, C, D), lambda i: (i // T, 0, i % T)),
            pl.BlockSpec((N, N), lambda i: (0, 0)),
            pl.BlockSpec((D, F), lambda i: (0, 0)),
            pl.BlockSpec((F, 2 * H), lambda i: (0, 0)),
            pl.BlockSpec((1, F), lambda i: (0, 0)),
        ],
        out_specs=pl.BlockSpec((1, C, F), lambda i: (i // T, 0, i % T)),
        out_shape=jax.ShapeDtypeStruct((B, C, T * F), jnp.float32),
        scratch_shapes=[pltpu.VMEM((N, N), jnp.bfloat16)],
    )(xv, cnt, W, amat, bf)
    return out.reshape(B, C, T, F)

# --- scband reference (transcript-rebuilt; emitter-appended) ---
"""Pipeline reference for scband-gatlayer-2688649527647 (READ-ONLY COPY).

The authoritative reference and input builder live on the scoring server;
editing this copy changes nothing except your own understanding.
"""

import jax, jax.numpy as jnp
import numpy as np

N_NODES = 512
HEADS = 4
OUT_H = 64  # out_channels // heads = 256 // 4
NEG_SLOPE = 0.2


def leaky_relu(v, slope=NEG_SLOPE):
    return jnp.where(v > 0, v, slope * v)


def gat_conv(x, edge_index, W, att_src, att_dst, bias):
    # Faithful PyG GATConv (eval mode, dropout inactive), with self-loops.
    n = x.shape[0]
    loops = jnp.arange(n, dtype=edge_index.dtype)
    src = jnp.concatenate([edge_index[0], loops])
    dst = jnp.concatenate([edge_index[1], loops])
    h = (x @ W).reshape(n, HEADS, OUT_H)
    alpha_src = (h * att_src[None, :, :]).sum(-1)  # [N, H]
    alpha_dst = (h * att_dst[None, :, :]).sum(-1)  # [N, H]
    e = leaky_relu(alpha_src[src] + alpha_dst[dst])  # [E+N, H]
    e_max = jax.lax.stop_gradient(jax.ops.segment_max(e, dst, num_segments=n))
    e_max = jnp.where(jnp.isfinite(e_max), e_max, 0.0)
    ex = jnp.exp(e - e_max[dst])
    denom = jax.ops.segment_sum(ex, dst, num_segments=n)
    alpha = ex / (denom[dst] + 1e-16)  # softmax over incoming edges per dst
    msg = h[src] * alpha[..., None]  # [E+N, H, O]
    out = jax.ops.segment_sum(msg, dst, num_segments=n)  # [N, H, O]
    out = out.reshape(n, HEADS * OUT_H) + bias
    return out


def setup_inputs(seed: int = 0) -> dict:
    key = jax.random.key(seed)
    k1, k2, k3, k4, k5 = jax.random.split(key, 5)
    B, C, T, D = 4, N_NODES, 32, 256
    E = 16384
    x = jax.random.normal(k1, (B, C, T, D), dtype=jnp.float32)
    edge_index = jax.random.randint(k2, (2, E), 0, N_NODES, dtype=jnp.int64)
    W = jax.random.normal(k3, (D, HEADS * OUT_H), dtype=jnp.float32) * 0.05
    att_src = jax.random.normal(k4, (HEADS, OUT_H), dtype=jnp.float32) * 0.05
    att_dst = jax.random.normal(k5, (HEADS, OUT_H), dtype=jnp.float32) * 0.05
    bias = jnp.zeros((HEADS * OUT_H,), dtype=jnp.float32)
    return {"x": x, "edge_index": edge_index, "W": W, "att_src": att_src, "att_dst": att_dst, "bias": bias}


def reference(x, edge_index, W, att_src, att_dst, bias):
    B, C, T, D = x.shape
    # spatial graph_type: one GAT pass per (b, t) slice over C nodes
    xs = jnp.transpose(x, (0, 2, 1, 3)).reshape(B * T, C, D)

    def per_slice(nf):
        return leaky_relu(gat_conv(nf, edge_index, W, att_src, att_dst, bias))

    out = jax.vmap(per_slice)(xs)  # [B*T, C, heads*out_h]
    out = out.reshape(B, T, C, -1).transpose(0, 2, 1, 3)  # [B, C, T, out_channels]
    return out

if __name__ == "__main__":
    import jax
    _d = setup_inputs()
    print(jax.jit(kernel)(*tuple(_d.values())))

</pallas_src>

<mosaic_0001>
#map = affine_map<(d0, d1) -> (0)>
#map1 = affine_map<(d0, d1) -> (0, 0)>
module attributes {stable_mosaic.version = 14 : i64} {
  func.func @body(%arg0: i32, %arg1: i32, %arg2: memref<16384xi32, #tpu.memory_space<hbm>>, %arg3: memref<16384xi32, #tpu.memory_space<hbm>>, %arg4: memref<512x512xf32, #tpu.memory_space<hbm>>, %arg5: memref<16384xi32, #tpu.memory_space<vmem>>, %arg6: memref<16384xi32, #tpu.memory_space<vmem>>, %arg7: memref<16x512xf32, #tpu.memory_space<vmem>>) attributes {dimension_semantics = [#tpu.dimension_semantics<core_parallel>, #tpu.dimension_semantics<subcore_parallel>], iteration_bounds = array<i64: 2, 16>, scalar_prefetch = 0 : i64, scratch_operands = 3 : i64, tpu.core_type = #tpu.core_type<sc_vector_subcore>, window_params = [{transform_indices = #map}, {transform_indices = #map}, {transform_indices = #map1}]} {
    %mul3A = arith.constant 2 : i32
    %mul3A_0 = arith.muli %arg1, %mul3A : i32
    %add3A = arith.addi %mul3A_0, %arg0 : i32
    %mul3A_1 = arith.constant 16 : i32
    %mul3A_2 = arith.muli %add3A, %mul3A_1 : i32
    "tpu.region"() ({
      %run_scoped3A = tpu.sem_alloc : memref<!tpu.dma_semaphore, #tpu.memory_space<semaphore_mem>>
      tpu.enqueue_dma source(%arg2 : memref<16384xi32, #tpu.memory_space<hbm>>) target(%arg5 : memref<16384xi32, #tpu.memory_space<vmem>>) target_semaphore(%run_scoped3A : memref<!tpu.dma_semaphore, #tpu.memory_space<semaphore_mem>>)
      tpu.wait_dma2 semaphore(%run_scoped3A : memref<!tpu.dma_semaphore, #tpu.memory_space<semaphore_mem>>) src(%arg2 : memref<16384xi32, #tpu.memory_space<hbm>>) dst(%arg5 : memref<16384xi32, #tpu.memory_space<vmem>>)
      tpu.yield
    }) : () -> ()
    "tpu.region"() ({
      %run_scoped3A = tpu.sem_alloc : memref<!tpu.dma_semaphore, #tpu.memory_space<semaphore_mem>>
      tpu.enqueue_dma source(%arg3 : memref<16384xi32, #tpu.memory_space<hbm>>) target(%arg6 : memref<16384xi32, #tpu.memory_space<vmem>>) target_semaphore(%run_scoped3A : memref<!tpu.dma_semaphore, #tpu.memory_space<semaphore_mem>>)
      tpu.wait_dma2 semaphore(%run_scoped3A : memref<!tpu.dma_semaphore, #tpu.memory_space<semaphore_mem>>) src(%arg3 : memref<16384xi32, #tpu.memory_space<hbm>>) dst(%arg6 : memref<16384xi32, #tpu.memory_space<vmem>>)
      tpu.yield
    }) : () -> ()
    %broadcast_in_dim3A = arith.constant 0.000000e+00 : f32
    %broadcast_in_dim3A_3 = vector.broadcast %broadcast_in_dim3A : f32 to vector<16xf32>
    %scan3A = arith.constant 0 : i32
    %scan3A_4 = arith.constant 0 : i32
    %scan3A_5 = arith.constant 16 : i32
    %scan3A_6 = arith.addi %scan3A_4, %scan3A_5 : i32
    %scan3A_7 = arith.constant 1 : i32
    scf.for %scan3A_29 = %scan3A_4 to %scan3A_6 step %scan3A_7  : i32 {
      %swap3A = arith.index_cast %scan3A_29 : i32 to index
      %swap3A_30 = arith.constant 0 : index
      %swap3A_31 = tpu.vector_load %arg7[%swap3A, %swap3A_30] {strides = array<i32>} : memref<16x512xf32, #tpu.memory_space<vmem>>, vector<16xf32>,
      tpu.vector_store %arg7[%swap3A, %swap3A_30], %broadcast_in_dim3A_3 {strides = array<i32>} : memref<16x512xf32, #tpu.memory_space<vmem>>, vector<16xf32>,
      %swap3A_32 = arith.index_cast %scan3A_29 : i32 to index
      %swap3A_33 = arith.constant 16 : index
      %swap3A_34 = tpu.vector_load %arg7[%swap3A_32, %swap3A_33] {strides = array<i32>} : memref<16x512xf32, #tpu.memory_space<vmem>>, vector<16xf32>,
      tpu.vector_store %arg7[%swap3A_32, %swap3A_33], %broadcast_in_dim3A_3 {strides = array<i32>} : memref<16x512xf32, #tpu.memory_space<vmem>>, vector<16xf32>,
      %swap3A_35 = arith.index_cast %scan3A_29 : i32 to index
      %swap3A_36 = arith.constant 32 : index
      %swap3A_37 = tpu.vector_load %arg7[%swap3A_35, %swap3A_36] {strides = array<i32>} : memref<16x512xf32, #tpu.memory_space<vmem>>, vector<16xf32>,
      tpu.vector_store %arg7[%swap3A_35, %swap3A_36], %broadcast_in_dim3A_3 {strides = array<i32>} : memref<16x512xf32, #tpu.memory_space<vmem>>, vector<16xf32>,
      %swap3A_38 = arith.index_cast %scan3A_29 : i32 to index
      %swap3A_39 = arith.constant 48 : index
      %swap3A_40 = tpu.vector_load %arg7[%swap3A_38, %swap3A_39] {strides = array<i32>} : memref<16x512xf32, #tpu.memory_space<vmem>>, vector<16xf32>,
      tpu.vector_store %arg7[%swap3A_38, %swap3A_39], %broadcast_in_dim3A_3 {strides = array<i32>} : memref<16x512xf32, #tpu.memory_space<vmem>>, vector<16xf32>,
      %swap3A_41 = arith.index_cast %scan3A_29 : i32 to index
      %swap3A_42 = arith.constant 64 : index
      %swap3A_43 = tpu.vector_load %arg7[%swap3A_41, %swap3A_42] {strides = array<i32>} : memref<16x512xf32, #tpu.memory_space<vmem>>, vector<16xf32>,
      tpu.vector_store %arg7[%swap3A_41, %swap3A_42], %broadcast_in_dim3A_3 {strides = array<i32>} : memref<16x512xf32, #tpu.memory_space<vmem>>, vector<16xf32>,
      %swap3A_44 = arith.index_cast %scan3A_29 : i32 to index
      %swap3A_45 = arith.constant 80 : index
      %swap3A_46 = tpu.vector_load %arg7[%swap3A_44, %swap3A_45] {strides = array<i32>} : memref<16x512xf32, #tpu.memory_space<vmem>>, vector<16xf32>,
      tpu.vector_store %arg7[%swap3A_44, %swap3A_45], %broadcast_in_dim3A_3 {strides = array<i32>} : memref<16x512xf32, #tpu.memory_space<vmem>>, vector<16xf32>,
      %swap3A_47 = arith.index_cast %scan3A_29 : i32 to index
      %swap3A_48 = arith.constant 96 : index
      %swap3A_49 = tpu.vector_load %arg7[%swap3A_47, %swap3A_48] {strides = array<i32>} : memref<16x512xf32, #tpu.memory_space<vmem>>, vector<16xf32>,
      tpu.vector_store %arg7[%swap3A_47, %swap3A_48], %broadcast_in_dim3A_3 {strides = array<i32>} : memref<16x512xf32, #tpu.memory_space<vmem>>, vector<16xf32>,
      %swap3A_50 = arith.index_cast %scan3A_29 : i32 to index
      %swap3A_51 = arith.constant 112 : index
      %swap3A_52 = tpu.vector_load %arg7[%swap3A_50, %swap3A_51] {strides = array<i32>} : memref<16x512xf32, #tpu.memory_space<vmem>>, vector<16xf32>,
      tpu.vector_store %arg7[%swap3A_50, %swap3A_51], %broadcast_in_dim3A_3 {strides = array<i32>} : memref<16x512xf32, #tpu.memory_space<vmem>>, vector<16xf32>,
      %swap3A_53 = arith.index_cast %scan3A_29 : i32 to index
      %swap3A_54 = arith.constant 128 : index
      %swap3A_55 = tpu.vector_load %arg7[%swap3A_53, %swap3A_54] {strides = array<i32>} : memref<16x512xf32, #tpu.memory_space<vmem>>, vector<16xf32>,
      tpu.vector_store %arg7[%swap3A_53, %swap3A_54], %broadcast_in_dim3A_3 {strides = array<i32>} : memref<16x512xf32, #tpu.memory_space<vmem>>, vector<16xf32>,
      %swap3A_56 = arith.index_cast %scan3A_29 : i32 to index
      %swap3A_57 = arith.constant 144 : index
      %swap3A_58 = tpu.vector_load %arg7[%swap3A_56, %swap3A_57] {strides = array<i32>} : memref<16x512xf32, #tpu.memory_space<vmem>>, vector<16xf32>,
      tpu.vector_store %arg7[%swap3A_56, %swap3A_57], %broadcast_in_dim3A_3 {strides = array<i32>} : memref<16x512xf32, #tpu.memory_space<vmem>>, vector<16xf32>,
      %swap3A_59 = arith.index_cast %scan3A_29 : i32 to index
      %swap3A_60 = arith.constant 160 : index
      %swap3A_61 = tpu.vector_load %arg7[%swap3A_59, %swap3A_60] {strides = array<i32>} : memref<16x512xf32, #tpu.memory_space<vmem>>, vector<16xf32>,
      tpu.vector_store %arg7[%swap3A_59, %swap3A_60], %broadcast_in_dim3A_3 {strides = array<i32>} : memref<16x512xf32, #tpu.memory_space<vmem>>, vector<16xf32>,
      %swap3A_62 = arith.index_cast %scan3A_29 : i32 to index
      %swap3A_63 = arith.constant 176 : index
      %swap3A_64 = tpu.vector_load %arg7[%swap3A_62, %swap3A_63] {strides = array<i32>} : memref<16x512xf32, #tpu.memory_space<vmem>>, vector<16xf32>,
      tpu.vector_store %arg7[%swap3A_62, %swap3A_63], %broadcast_in_dim3A_3 {strides = array<i32>} : memref<16x512xf32, #tpu.memory_space<vmem>>, vector<16xf32>,
      %swap3A_65 = arith.index_cast %scan3A_29 : i32 to index
      %swap3A_66 = arith.constant 192 : index
      %swap3A_67 = tpu.vector_load %arg7[%swap3A_65, %swap3A_66] {strides = array<i32>} : memref<16x512xf32, #tpu.memory_space<vmem>>, vector<16xf32>,
      tpu.vector_store %arg7[%swap3A_65, %swap3A_66], %broadcast_in_dim3A_3 {strides = array<i32>} : memref<16x512xf32, #tpu.memory_space<vmem>>, vector<16xf32>,
      %swap3A_68 = arith.index_cast %scan3A_29 : i32 to index
      %swap3A_69 = arith.constant 208 : index
      %swap3A_70 = tpu.vector_load %arg7[%swap3A_68, %swap3A_69] {strides = array<i32>} : memref<16x512xf32, #tpu.memory_space<vmem>>, vector<16xf32>,
      tpu.vector_store %arg7[%swap3A_68, %swap3A_69], %broadcast_in_dim3A_3 {strides = array<i32>} : memref<16x512xf32, #tpu.memory_space<vmem>>, vector<16xf32>,
      %swap3A_71 = arith.index_cast %scan3A_29 : i32 to index
      %swap3A_72 = arith.constant 224 : index
      %swap3A_73 = tpu.vector_load %arg7[%swap3A_71, %swap3A_72] {strides = array<i32>} : memref<16x512xf32, #tpu.memory_space<vmem>>, vector<16xf32>,
      tpu.vector_store %arg7[%swap3A_71, %swap3A_72], %broadcast_in_dim3A_3 {strides = array<i32>} : memref<16x512xf32, #tpu.memory_space<vmem>>, vector<16xf32>,
      %swap3A_74 = arith.index_cast %scan3A_29 : i32 to index
      %swap3A_75 = arith.constant 240 : index
      %swap3A_76 = tpu.vector_load %arg7[%swap3A_74, %swap3A_75] {strides = array<i32>} : memref<16x512xf32, #tpu.memory_space<vmem>>, vector<16xf32>,
      tpu.vector_store %arg7[%swap3A_74, %swap3A_75], %broadcast_in_dim3A_3 {strides = array<i32>} : memref<16x512xf32, #tpu.memory_space<vmem>>, vector<16xf32>,
      %swap3A_77 = arith.index_cast %scan3A_29 : i32 to index
      %swap3A_78 = arith.constant 256 : index
      %swap3A_79 = tpu.vector_load %arg7[%swap3A_77, %swap3A_78] {strides = array<i32>} : memref<16x512xf32, #tpu.memory_space<vmem>>, vector<16xf32>,
      tpu.vector_store %arg7[%swap3A_77, %swap3A_78], %broadcast_in_dim3A_3 {strides = array<i32>} : memref<16x512xf32, #tpu.memory_space<vmem>>, vector<16xf32>,
      %swap3A_80 = arith.index_cast %scan3A_29 : i32 to index
      %swap3A_81 = arith.constant 272 : index
      %swap3A_82 = tpu.vector_load %arg7[%swap3A_80, %swap3A_81] {strides = array<i32>} : memref<16x512xf32, #tpu.memory_space<vmem>>, vector<16xf32>,
      tpu.vector_store %arg7[%swap3A_80, %swap3A_81], %broadcast_in_dim3A_3 {strides = array<i32>} : memref<16x512xf32, #tpu.memory_space<vmem>>, vector<16xf32>,
      %swap3A_83 = arith.index_cast %scan3A_29 : i32 to index
      %swap3A_84 = arith.constant 288 : index
      %swap3A_85 = tpu.vector_load %arg7[%swap3A_83, %swap3A_84] {strides = array<i32>} : memref<16x512xf32, #tpu.memory_space<vmem>>, vector<16xf32>,
      tpu.vector_store %arg7[%swap3A_83, %swap3A_84], %broadcast_in_dim3A_3 {strides = array<i32>} : memref<16x512xf32, #tpu.memory_space<vmem>>, vector<16xf32>,
      %swap3A_86 = arith.index_cast %scan3A_29 : i32 to index
      %swap3A_87 = arith.constant 304 : index
      %swap3A_88 = tpu.vector_load %arg7[%swap3A_86, %swap3A_87] {strides = array<i32>} : memref<16x512xf32, #tpu.memory_space<vmem>>, vector<16xf32>,
      tpu.vector_store %arg7[%swap3A_86, %swap3A_87], %broadcast_in_dim3A_3 {strides = array<i32>} : memref<16x512xf32, #tpu.memory_space<vmem>>, vector<16xf32>,
      %swap3A_89 = arith.index_cast %scan3A_29 : i32 to index
      %swap3A_90 = arith.constant 320 : index
      %swap3A_91 = tpu.vector_load %arg7[%swap3A_89, %swap3A_90] {strides = array<i32>} : memref<16x512xf32, #tpu.memory_space<vmem>>, vector<16xf32>,
      tpu.vector_store %arg7[%swap3A_89, %swap3A_90], %broadcast_in_dim3A_3 {strides = array<i32>} : memref<16x512xf32, #tpu.memory_space<vmem>>, vector<16xf32>,
      %swap3A_92 = arith.index_cast %scan3A_29 : i32 to index
      %swap3A_93 = arith.constant 336 : index
      %swap3A_94 = tpu.vector_load %arg7[%swap3A_92, %swap3A_93] {strides = array<i32>} : memref<16x512xf32, #tpu.memory_space<vmem>>, vector<16xf32>,
      tpu.vector_store %arg7[%swap3A_92, %swap3A_93], %broadcast_in_dim3A_3 {strides = array<i32>} : memref<16x512xf32, #tpu.memory_space<vmem>>, vector<16xf32>,
      %swap3A_95 = arith.index_cast %scan3A_29 : i32 to index
      %swap3A_96 = arith.constant 352 : index
      %swap3A_97 = tpu.vector_load %arg7[%swap3A_95, %swap3A_96] {strides = array<i32>} : memref<16x512xf32, #tpu.memory_space<vmem>>, vector<16xf32>,
      tpu.vector_store %arg7[%swap3A_95, %swap3A_96], %broadcast_in_dim3A_3 {strides = array<i32>} : memref<16x512xf32, #tpu.memory_space<vmem>>, vector<16xf32>,
      %swap3A_98 = arith.index_cast %scan3A_29 : i32 to index
      %swap3A_99 = arith.constant 368 : index
      %swap3A_100 = tpu.vector_load %arg7[%swap3A_98, %swap3A_99] {strides = array<i32>} : memref<16x512xf32, #tpu.memory_space<vmem>>, vector<16xf32>,
      tpu.vector_store %arg7[%swap3A_98, %swap3A_99], %broadcast_in_dim3A_3 {strides = array<i32>} : memref<16x512xf32, #tpu.memory_space<vmem>>, vector<16xf32>,
      %swap3A_101 = arith.index_cast %scan3A_29 : i32 to index
      %swap3A_102 = arith.constant 384 : index
      %swap3A_103 = tpu.vector_load %arg7[%swap3A_101, %swap3A_102] {strides = array<i32>} : memref<16x512xf32, #tpu.memory_space<vmem>>, vector<16xf32>,
      tpu.vector_store %arg7[%swap3A_101, %swap3A_102], %broadcast_in_dim3A_3 {strides = array<i32>} : memref<16x512xf32, #tpu.memory_space<vmem>>, vector<16xf32>,
      %swap3A_104 = arith.index_cast %scan3A_29 : i32 to index
      %swap3A_105 = arith.constant 400 : index
      %swap3A_106 = tpu.vector_load %arg7[%swap3A_104, %swap3A_105] {strides = array<i32>} : memref<16x512xf32, #tpu.memory_space<vmem>>, vector<16xf32>,
      tpu.vector_store %arg7[%swap3A_104, %swap3A_105], %broadcast_in_dim3A_3 {strides = array<i32>} : memref<16x512xf32, #tpu.memory_space<vmem>>, vector<16xf32>,
      %swap3A_107 = arith.index_cast %scan3A_29 : i32 to index
      %swap3A_108 = arith.constant 416 : index
      %swap3A_109 = tpu.vector_load %arg7[%swap3A_107, %swap3A_108] {strides = array<i32>} : memref<16x512xf32, #tpu.memory_space<vmem>>, vector<16xf32>,
      tpu.vector_store %arg7[%swap3A_107, %swap3A_108], %broadcast_in_dim3A_3 {strides = array<i32>} : memref<16x512xf32, #tpu.memory_space<vmem>>, vector<16xf32>,
      %swap3A_110 = arith.index_cast %scan3A_29 : i32 to index
      %swap3A_111 = arith.constant 432 : index
      %swap3A_112 = tpu.vector_load %arg7[%swap3A_110, %swap3A_111] {strides = array<i32>} : memref<16x512xf32, #tpu.memory_space<vmem>>, vector<16xf32>,
      tpu.vector_store %arg7[%swap3A_110, %swap3A_111], %broadcast_in_dim3A_3 {strides = array<i32>} : memref<16x512xf32, #tpu.memory_space<vmem>>, vector<16xf32>,
      %swap3A_113 = arith.index_cast %scan3A_29 : i32 to index
      %swap3A_114 = arith.constant 448 : index
      %swap3A_115 = tpu.vector_load %arg7[%swap3A_113, %swap3A_114] {strides = array<i32>} : memref<16x512xf32, #tpu.memory_space<vmem>>, vector<16xf32>,
      tpu.vector_store %arg7[%swap3A_113, %swap3A_114], %broadcast_in_dim3A_3 {strides = array<i32>} : memref<16x512xf32, #tpu.memory_space<vmem>>, vector<16xf32>,
      %swap3A_116 = arith.index_cast %scan3A_29 : i32 to index
      %swap3A_117 = arith.constant 464 : index
      %swap3A_118 = tpu.vector_load %arg7[%swap3A_116, %swap3A_117] {strides = array<i32>} : memref<16x512xf32, #tpu.memory_space<vmem>>, vector<16xf32>,
      tpu.vector_store %arg7[%swap3A_116, %swap3A_117], %broadcast_in_dim3A_3 {strides = array<i32>} : memref<16x512xf32, #tpu.memory_space<vmem>>, vector<16xf32>,
      %swap3A_119 = arith.index_cast %scan3A_29 : i32 to index
      %swap3A_120 = arith.constant 480 : index
      %swap3A_121 = tpu.vector_load %arg7[%swap3A_119, %swap3A_120] {strides = array<i32>} : memref<16x512xf32, #tpu.memory_space<vmem>>, vector<16xf32>,
      tpu.vector_store %arg7[%swap3A_119, %swap3A_120], %broadcast_in_dim3A_3 {strides = array<i32>} : memref<16x512xf32, #tpu.memory_space<vmem>>, vector<16xf32>,
      %swap3A_122 = arith.index_cast %scan3A_29 : i32 to index
      %swap3A_123 = arith.constant 496 : index
      %swap3A_124 = tpu.vector_load %arg7[%swap3A_122, %swap3A_123] {strides = array<i32>} : memref<16x512xf32, #tpu.memory_space<vmem>>, vector<16xf32>,
      tpu.vector_store %arg7[%swap3A_122, %swap3A_123], %broadcast_in_dim3A_3 {strides = array<i32>} : memref<16x512xf32, #tpu.memory_space<vmem>>, vector<16xf32>,
    }
    %scan3A_8 = arith.constant 16 : i32
    %iota3A = tpu.iota {dimensions = array<i32: 0>} : vector<16xi32>
    %broadcast_in_dim3A_9 = arith.constant true
    %broadcast_in_dim3A_10 = vector.broadcast %broadcast_in_dim3A_9 : i1 to vector<16xi1>
    %unique3A, %unique3A_11 = tpu.scan_count mask(%broadcast_in_dim3A_10 : vector<16xi1>) value(%iota3A : vector<16xi32>) : vector<16xi1>, vector<16xi32>
    %reduce_max3A = arith.constant true
    %reduce_max3A_12 = vector.broadcast %reduce_max3A : i1 to vector<16xi1>
    %reduce_max3A_13 = arith.constant -2147483648 : i32
    %reduce_max3A_14 = vector.broadcast %reduce_max3A_13 : i32 to vector<16xi32>
    %reduce_max3A_15 = arith.xori %unique3A_11, %reduce_max3A_14 : vector<16xi32>
    %reduce_max3A_16 = tpu.scan <max>, %reduce_max3A_15 masked %reduce_max3A_12 : vector<16xi32>, vector<16xi1> -> vector<16xi32>
    %reduce_max3A_17 = arith.xori %reduce_max3A_16, %reduce_max3A_14 : vector<16xi32>
    %reduce_max3A_18 = vector.extract %reduce_max3A_17[15] : i32 from vector<16xi32>
    %add3A_19 = vector.broadcast %mul3A_2 : i32 to vector<16xi32>
    %add3A_20 = arith.addi %add3A_19, %iota3A : vector<16xi32>
    %broadcast_in_dim3A_21 = arith.constant 1.000000e+00 : f32
    %broadcast_in_dim3A_22 = vector.broadcast %broadcast_in_dim3A_21 : f32 to vector<16xf32>
    tpu.vector_store_idx %arg7[%iota3A, %add3A_20], %broadcast_in_dim3A_22 {add = true} : memref<16x512xf32, #tpu.memory_space<vmem>>[vector<16xi32>, vector<16xi32>], vector<16xf32>,
    %scan3A_23 = arith.constant 0 : i32
    %scan3A_24 = arith.constant 0 : i32
    %scan3A_25 = arith.constant 1024 : i32
    %scan3A_26 = arith.addi %scan3A_24, %scan3A_25 : i32
    %scan3A_27 = arith.constant 1 : i32
    scf.for %scan3A_29 = %scan3A_24 to %scan3A_26 step %scan3A_27  : i32 {
      %mul3A_30 = arith.constant 16 : i32
      %mul3A_31 = arith.muli %scan3A_29, %mul3A_30 : i32
      %get3A = arith.index_cast %mul3A_31 : i32 to index
      %get3A_32 = tpu.vector_load %arg6[%get3A] {strides = array<i32>} : memref<16384xi32, #tpu.memory_space<vmem>>, vector<16xi32>,
      %mul3A_33 = arith.constant 16 : i32
      %mul3A_34 = arith.muli %scan3A_29, %mul3A_33 : i32
      %get3A_35 = arith.index_cast %mul3A_34 : i32 to index
      %get3A_36 = tpu.vector_load %arg5[%get3A_35] {strides = array<i32>} : memref<16384xi32, #tpu.memory_space<vmem>>, vector<16xi32>,
      %sub3A = vector.broadcast %mul3A_2 : i32 to vector<16xi32>
      %sub3A_37 = arith.subi %get3A_32, %sub3A : vector<16xi32>
      %ge3A = arith.constant 0 : i32
      %ge3A_38 = vector.broadcast %ge3A : i32 to vector<16xi32>
      %ge3A_39 = arith.cmpi sge, %sub3A_37, %ge3A_38 : vector<16xi32>
      %lt3A = arith.constant 16 : i32
      %lt3A_40 = vector.broadcast %lt3A : i32 to vector<16xi32>
      %lt3A_41 = arith.cmpi slt, %sub3A_37, %lt3A_40 : vector<16xi32>
      %and3A = arith.andi %ge3A_39, %lt3A_41 : vector<16xi1>
      %mul3A_42 = arith.constant 512 : i32
      %mul3A_43 = vector.broadcast %mul3A_42 : i32 to vector<16xi32>
      %mul3A_44 = arith.muli %sub3A_37, %mul3A_43 : vector<16xi32>
      %add3A_45 = arith.addi %mul3A_44, %get3A_36 : vector<16xi32>
      %add3A_46 = arith.constant 8192 : i32
      %add3A_47 = vector.broadcast %add3A_46 : i32 to vector<16xi32>
      %add3A_48 = arith.addi %add3A_47, %iota3A : vector<16xi32>
      %select_n3A = arith.select %and3A, %add3A_45, %add3A_48 : vector<16xi1>, vector<16xi32>
      %broadcast_in_dim3A_49 = arith.constant true
      %broadcast_in_dim3A_50 = vector.broadcast %broadcast_in_dim3A_49 : i1 to vector<16xi1>
      %unique3A_51, %unique3A_52 = tpu.scan_count mask(%broadcast_in_dim3A_50 : vector<16xi1>) value(%select_n3A : vector<16xi32>) : vector<16xi1>, vector<16xi32>
      %sub3A_53 = vector.broadcast %reduce_max3A_18 : i32 to vector<16xi32>
      %sub3A_54 = arith.subi %unique3A_52, %sub3A_53 : vector<16xi32>
      %add3A_55 = arith.constant 1 : i32
      %add3A_56 = vector.broadcast %add3A_55 : i32 to vector<16xi32>
      %add3A_57 = arith.addi %sub3A_54, %add3A_56 : vector<16xi32>
      %convert_element_type3A = arith.sitofp %add3A_57 : vector<16xi32> to vector<16xf32>
      %jit3A = arith.constant 0 : i32
      %broadcast_in_dim3A_58 = vector.broadcast %jit3A : i32 to vector<16xi32>
      %select_n3A_59 = arith.select %and3A, %sub3A_37, %broadcast_in_dim3A_58 : vector<16xi1>, vector<16xi32>
      %jit3A_60 = arith.constant 0 : i32
      %broadcast_in_dim3A_61 = vector.broadcast %jit3A_60 : i32 to vector<16xi32>
      %select_n3A_62 = arith.select %and3A, %get3A_36, %broadcast_in_dim3A_61 : vector<16xi1>, vector<16xi32>
      %and3A_63 = arith.andi %and3A, %unique3A_51 : vector<16xi1>
      tpu.vector_store_idx %arg7[%select_n3A_59, %select_n3A_62], %convert_element_type3A masked %and3A_63 {add = true} : memref<16x512xf32, #tpu.memory_space<vmem>>[vector<16xi32>, vector<16xi32>], vector<16xf32>, vector<16xi1>
    }
    %scan3A_28 = arith.constant 1024 : i32
    "tpu.region"() ({
      %run_scoped3A = tpu.sem_alloc : memref<!tpu.dma_semaphore, #tpu.memory_space<semaphore_mem>>
      %dma_start3A = arith.constant 0 : i32
      %dma_start3A_29 = tpu.memref_slice %arg4[%mul3A_2, %dma_start3A] : memref<512x512xf32, #tpu.memory_space<hbm>> -> memref<16x512xf32, #tpu.memory_space<hbm>>
      %dma_start3A_30 = arith.constant 0 : i32
      %dma_start3A_31 = tpu.memref_slice %arg4[%mul3A_2, %dma_start3A_30] : memref<512x512xf32, #tpu.memory_space<hbm>> -> memref<16x512xf32, #tpu.memory_space<hbm>>
      tpu.enqueue_dma source(%arg7 : memref<16x512xf32, #tpu.memory_space<vmem>>) target(%dma_start3A_31 : memref<16x512xf32, #tpu.memory_space<hbm>>) target_semaphore(%run_scoped3A : memref<!tpu.dma_semaphore, #tpu.memory_space<semaphore_mem>>)
      %dma_wait3A = arith.constant 0 : i32
      %dma_wait3A_32 = tpu.memref_slice %arg4[%mul3A_2, %dma_wait3A] : memref<512x512xf32, #tpu.memory_space<hbm>> -> memref<16x512xf32, #tpu.memory_space<hbm>>
      %dma_wait3A_33 = arith.constant 0 : i32
      %dma_wait3A_34 = tpu.memref_slice %arg4[%mul3A_2, %dma_wait3A_33] : memref<512x512xf32, #tpu.memory_space<hbm>> -> memref<16x512xf32, #tpu.memory_space<hbm>>
      tpu.wait_dma2 semaphore(%run_scoped3A : memref<!tpu.dma_semaphore, #tpu.memory_space<semaphore_mem>>) src(%arg7 : memref<16x512xf32, #tpu.memory_space<vmem>>) dst(%dma_wait3A_34 : memref<16x512xf32, #tpu.memory_space<hbm>>)
      tpu.yield
    }) : () -> ()
    return
  }
}

module attributes {stable_mosaic.version = 14 : i64} {
  func.func @_gat_body(%arg0: i32, %arg1: memref<1x512x256xf32, #tpu.memory_space<vmem>>, %arg2: memref<512x512xf32, #tpu.memory_space<vmem>>, %arg3: memref<256x256xf32, #tpu.memory_space<vmem>>, %arg4: memref<256x8xbf16, #tpu.memory_space<vmem>>, %arg5: memref<1x256xf32, #tpu.memory_space<vmem>>, %arg6: memref<1x512x256xf32, #tpu.memory_space<vmem>>, %arg7: memref<512x512xbf16, #tpu.memory_space<vmem>>) attributes {dimension_semantics = [#tpu.dimension_semantics<arbitrary>], iteration_bounds = array<i64: 128>, scalar_prefetch = 0 : i64, scratch_operands = 1 : i64, tpu.core_type = #tpu.core_type<tc>, window_params = [{transform_indices = @transform_0, window_bounds = array<i64: 1, 512, 256>}, {pipeline_mode = #tpu.pipeline_mode<synchronous>, transform_indices = @transform_1, window_bounds = array<i64: 512, 512>}, {pipeline_mode = #tpu.pipeline_mode<synchronous>, transform_indices = @transform_2, window_bounds = array<i64: 256, 256>}, {pipeline_mode = #tpu.pipeline_mode<synchronous>, transform_indices = @transform_3, window_bounds = array<i64: 256, 8>}, {pipeline_mode = #tpu.pipeline_mode<synchronous>, transform_indices = @transform_4, window_bounds = array<i64: 1, 256>}, {transform_indices = @transform_5, window_bounds = array<i64: 1, 512, 256>}]} {
    %eq3A = arith.constant 0 : i32
    %eq3A_0 = arith.cmpi eq, %arg0, %eq3A : i32
    %convert_element_type3A = arith.extui %eq3A_0 : i1 to i32
    %cond3A = arith.constant 0 : i32
    %cond3A_1 = arith.cmpi ne, %convert_element_type3A, %cond3A : i32
    scf.if %cond3A_1 {
      %get3A_295 = arith.constant 0 : index
      %get3A_296 = arith.constant 0 : index
      %get3A_297 = vector.load %arg2[%get3A_295, %get3A_296] : memref<512x512xf32, #tpu.memory_space<vmem>>, vector<512x512xf32>
      %reduce_max3A_298 = vector.shape_cast %get3A_297 : vector<512x512xf32> to vector<1x512x512xf32>
      %reduce_max3A_299 = arith.constant dense<0xFF800000> : vector<1xf32>
      %reduce_max3A_300 = vector.multi_reduction <maximumf>, %reduce_max3A_298, %reduce_max3A_299 [1, 2] : vector<1x512x512xf32> to vector<1xf32>
      %reduce_max3A_301 = vector.shape_cast %reduce_max3A_300 : vector<1xf32> to vector<1x1x1xf32>
      %reduce_max3A_302 = vector.extract %reduce_max3A_301[0, 0, 0] : f32 from vector<1x1x1xf32>
      %div3A_303 = arith.constant 1.000000e+00 : f32
      %div3A_304 = arith.divf %div3A_303, %reduce_max3A_302 : f32
      %mul3A_305 = vector.broadcast %div3A_304 : f32 to vector<512x512xf32>
      %mul3A_306 = arith.mulf %get3A_297, %mul3A_305 : vector<512x512xf32>
      %convert_element_type3A_307 = arith.truncf %mul3A_306 : vector<512x512xf32> to vector<512x512xbf16>
      %swap3A_308 = arith.constant 0 : index
      %swap3A_309 = arith.constant 0 : index
      %swap3A_310 = vector.load %arg7[%swap3A_308, %swap3A_309] : memref<512x512xbf16, #tpu.memory_space<vmem>>, vector<512x512xbf16>
      tpu.vector_store %arg7[%swap3A_308, %swap3A_309], %convert_element_type3A_307 {strides = array<i32>} : memref<512x512xbf16, #tpu.memory_space<vmem>>, vector<512x512xbf16>,
    } else {
    }
    %get3A = arith.constant 0 : index
    %get3A_2 = arith.constant 0 : index
    %get3A_3 = arith.constant 0 : index
    %get3A_4 = vector.load %arg1[%get3A, %get3A_2, %get3A_3] : memref<1x512x256xf32, #tpu.memory_space<vmem>>, vector<1x512x256xf32>
    %get3A_5 = vector.shape_cast %get3A_4 : vector<1x512x256xf32> to vector<512x256xf32>
    %convert_element_type3A_6 = arith.truncf %get3A_5 : vector<512x256xf32> to vector<512x256xbf16>
    %get3A_7 = arith.constant 0 : index
    %get3A_8 = arith.constant 0 : index
    %get3A_9 = vector.load %arg3[%get3A_7, %get3A_8] : memref<256x256xf32, #tpu.memory_space<vmem>>, vector<256x256xf32>
    %convert_element_type3A_10 = arith.truncf %get3A_9 : vector<256x256xf32> to vector<256x256xbf16>
    %dot_general3A = arith.constant dense<0.000000e+00> : vector<512x256xf32>
    %dot_general3A_11 = tpu.matmul %convert_element_type3A_6, %convert_element_type3A_10, %dot_general3A {dimension_numbers = #tpu.dot_dimension_numbers<[1], [0], [0], [1], [0, 0, 1, 1], [], []>, transpose_lhs_hint = false} : vector<512x256xbf16>, vector<256x256xbf16>, vector<512x256xf32> -> vector<512x256xf32>
    %convert_element_type3A_12 = arith.truncf %dot_general3A_11 : vector<512x256xf32> to vector<512x256xbf16>
    %broadcast_in_dim3A = arith.constant 1.000000e+00 : bf16
    %broadcast_in_dim3A_13 = vector.broadcast %broadcast_in_dim3A : bf16 to vector<512x1xbf16>
    %slice3A = vector.extract_strided_slice %convert_element_type3A_12 {offsets = [0, 0], sizes = [512, 64], strides = [1, 1]} : vector<512x256xbf16> to vector<512x64xbf16>
    %slice3A_14 = vector.extract_strided_slice %convert_element_type3A_12 {offsets = [0, 64], sizes = [512, 64], strides = [1, 1]} : vector<512x256xbf16> to vector<512x64xbf16>
    %slice3A_15 = vector.extract_strided_slice %convert_element_type3A_12 {offsets = [0, 128], sizes = [512, 64], strides = [1, 1]} : vector<512x256xbf16> to vector<512x64xbf16>
    %slice3A_16 = vector.extract_strided_slice %convert_element_type3A_12 {offsets = [0, 192], sizes = [512, 64], strides = [1, 1]} : vector<512x256xbf16> to vector<512x64xbf16>
    %concatenate3A = tpu.concatenate %slice3A, %broadcast_in_dim3A_13, %slice3A_14, %broadcast_in_dim3A_13, %slice3A_15, %broadcast_in_dim3A_13, %slice3A_16, %broadcast_in_dim3A_13 in 1 : vector<512x64xbf16>, vector<512x1xbf16>, vector<512x64xbf16>, vector<512x1xbf16>, vector<512x64xbf16>, vector<512x1xbf16>, vector<512x64xbf16>, vector<512x1xbf16> -> vector<512x260xbf16>
    %get3A_17 = arith.constant 0 : index
    %get3A_18 = arith.constant 0 : index
    %get3A_19 = vector.load %arg4[%get3A_17, %get3A_18] : memref<256x8xbf16, #tpu.memory_space<vmem>>, vector<256x8xbf16>
    %dot_general3A_20 = arith.constant dense<0.000000e+00> : vector<512x8xf32>
    %dot_general3A_21 = tpu.matmul %convert_element_type3A_12, %get3A_19, %dot_general3A_20 {dimension_numbers = #tpu.dot_dimension_numbers<[1], [0], [0], [1], [0, 0, 1, 1], [], []>, transpose_lhs_hint = false} : vector<512x256xbf16>, vector<256x8xbf16>, vector<512x8xf32> -> vector<512x8xf32>
    %transpose3A = tpu.transpose %dot_general3A_21, [1, 0] : vector<512x8xf32> -> vector<8x512xf32>
    %reduce_max3A = arith.constant dense<0xFF800000> : vector<8xf32>
    %reduce_max3A_22 = vector.multi_reduction <maximumf>, %dot_general3A_21, %reduce_max3A [0] : vector<512x8xf32> to vector<8xf32>
    %broadcast_in_dim3A_23 = vector.shape_cast %reduce_max3A_22 : vector<8xf32> to vector<1x8xf32>
    %get3A_24 = arith.constant 0 : index
    %get3A_25 = arith.constant 0 : index
    %get3A_26 = vector.load %arg7[%get3A_24, %get3A_25] : memref<512x512xbf16, #tpu.memory_space<vmem>>, vector<512x512xbf16>
    %slice3A_27 = vector.extract_strided_slice %transpose3A {offsets = [0, 0], sizes = [1, 512], strides = [1, 1]} : vector<8x512xf32> to vector<1x512xf32>
    %slice3A_28 = vector.extract_strided_slice %dot_general3A_21 {offsets = [0, 4], sizes = [512, 1], strides = [1, 1]} : vector<512x8xf32> to vector<512x1xf32>
    %slice3A_29 = vector.extract_strided_slice %broadcast_in_dim3A_23 {offsets = [0, 0], sizes = [1, 1], strides = [1, 1]} : vector<1x8xf32> to vector<1x1xf32>
    %add3A = vector.broadcast %slice3A_29 : vector<1x1xf32> to vector<512x1xf32>
    %add3A_30 = arith.addf %slice3A_28, %add3A : vector<512x1xf32>
    %mul3A = arith.constant 2.000000e-01 : f32
    %mul3A_31 = vector.broadcast %mul3A : f32 to vector<512x1xf32>
    %mul3A_32 = arith.mulf %mul3A_31, %add3A_30 : vector<512x1xf32>
    %max3A = arith.maximumf %add3A_30, %mul3A_32 : vector<512x1xf32>
    %neg3A = arith.constant 0.000000e+00 : f32
    %neg3A_33 = vector.broadcast %neg3A : f32 to vector<512x1xf32>
    %neg3A_34 = arith.subf %neg3A_33, %max3A : vector<512x1xf32>
    %add3A_35 = arith.addf %add3A_30, %neg3A_34 : vector<512x1xf32>
    %exp3A = math.exp %add3A_35 : vector<512x1xf32>
    %convert_element_type3A_36 = arith.truncf %exp3A : vector<512x1xf32> to vector<512x1xbf16>
    %mul3A_37 = arith.constant 2.000000e-01 : f32
    %mul3A_38 = vector.broadcast %mul3A_37 : f32 to vector<512x1xf32>
    %mul3A_39 = arith.mulf %mul3A_38, %add3A_30 : vector<512x1xf32>
    %add3A_40 = arith.addf %mul3A_39, %neg3A_34 : vector<512x1xf32>
    %exp3A_41 = math.exp %add3A_40 : vector<512x1xf32>
    %convert_element_type3A_42 = arith.truncf %exp3A_41 : vector<512x1xf32> to vector<512x1xbf16>
    %slice3A_43 = vector.extract_strided_slice %broadcast_in_dim3A_23 {offsets = [0, 0], sizes = [1, 1], strides = [1, 1]} : vector<1x8xf32> to vector<1x1xf32>
    %sub3A = vector.broadcast %slice3A_43 : vector<1x1xf32> to vector<1x512xf32>
    %sub3A_44 = arith.subf %slice3A_27, %sub3A : vector<1x512xf32>
    %exp3A_45 = math.exp %sub3A_44 : vector<1x512xf32>
    %convert_element_type3A_46 = arith.truncf %exp3A_45 : vector<1x512xf32> to vector<1x512xbf16>
    %mul3A_47 = arith.constant 2.000000e-01 : f32
    %mul3A_48 = vector.broadcast %mul3A_47 : f32 to vector<1x512xf32>
    %mul3A_49 = arith.mulf %mul3A_48, %sub3A_44 : vector<1x512xf32>
    %exp3A_50 = math.exp %mul3A_49 : vector<1x512xf32>
    %convert_element_type3A_51 = arith.truncf %exp3A_50 : vector<1x512xf32> to vector<1x512xbf16>
    %mul3A_52 = vector.broadcast %convert_element_type3A_36 : vector<512x1xbf16> to vector<512x512xbf16>
    %mul3A_53 = vector.broadcast %convert_element_type3A_46 : vector<1x512xbf16> to vector<512x512xbf16>
    %mul3A_54 = arith.mulf %mul3A_52, %mul3A_53 : vector<512x512xbf16>
    %mul3A_55 = vector.broadcast %convert_element_type3A_42 : vector<512x1xbf16> to vector<512x512xbf16>
    %mul3A_56 = vector.broadcast %convert_element_type3A_51 : vector<1x512xbf16> to vector<512x512xbf16>
    %mul3A_57 = arith.mulf %mul3A_55, %mul3A_56 : vector<512x512xbf16>
    %max3A_58 = arith.maximumf %mul3A_54, %mul3A_57 : vector<512x512xbf16>
    %mul3A_59 = arith.mulf %max3A_58, %get3A_26 : vector<512x512xbf16>
    %slice3A_60 = vector.extract_strided_slice %concatenate3A {offsets = [0, 0], sizes = [512, 65], strides = [1, 1]} : vector<512x260xbf16> to vector<512x65xbf16>
    %dot_general3A_61 = arith.constant dense<0.000000e+00> : vector<512x65xf32>
    %dot_general3A_62 = tpu.matmul %mul3A_59, %slice3A_60, %dot_general3A_61 {dimension_numbers = #tpu.dot_dimension_numbers<[1], [0], [0], [1], [0, 0, 1, 1], [], []>, transpose_lhs_hint = false} : vector<512x512xbf16>, vector<512x65xbf16>, vector<512x65xf32> -> vector<512x65xf32>
    %slice3A_63 = vector.extract_strided_slice %dot_general3A_62 {offsets = [0, 64], sizes = [512, 1], strides = [1, 1]} : vector<512x65xf32> to vector<512x1xf32>
    %slice3A_64 = vector.extract_strided_slice %dot_general3A_62 {offsets = [0, 0], sizes = [512, 64], strides = [1, 1]} : vector<512x65xf32> to vector<512x64xf32>
    %add3A_65 = arith.constant 1.000000e-16 : f32
    %add3A_66 = vector.broadcast %add3A_65 : f32 to vector<512x1xf32>
    %add3A_67 = arith.addf %slice3A_63, %add3A_66 : vector<512x1xf32>
    %div3A = arith.constant 1.000000e+00 : f32
    %div3A_68 = vector.broadcast %div3A : f32 to vector<512x1xf32>
    %div3A_69 = arith.divf %div3A_68, %add3A_67 : vector<512x1xf32>
    %mul3A_70 = vector.broadcast %div3A_69 : vector<512x1xf32> to vector<512x64xf32>
    %mul3A_71 = arith.mulf %slice3A_64, %mul3A_70 : vector<512x64xf32>
    %get3A_72 = arith.constant 0 : index
    %get3A_73 = arith.constant 0 : index
    %get3A_74 = vector.load %arg5[%get3A_72, %get3A_73] : memref<1x256xf32, #tpu.memory_space<vmem>>, vector<1x64xf32>
    %get3A_75 = vector.shape_cast %get3A_74 : vector<1x64xf32> to vector<64xf32>
    %broadcast_in_dim3A_76 = vector.shape_cast %get3A_75 : vector<64xf32> to vector<1x64xf32>
    %add3A_77 = vector.broadcast %broadcast_in_dim3A_76 : vector<1x64xf32> to vector<512x64xf32>
    %add3A_78 = arith.addf %mul3A_71, %add3A_77 : vector<512x64xf32>
    %mul3A_79 = arith.constant 2.000000e-01 : f32
    %mul3A_80 = vector.broadcast %mul3A_79 : f32 to vector<512x64xf32>
    %mul3A_81 = arith.mulf %mul3A_80, %add3A_78 : vector<512x64xf32>
    %max3A_82 = arith.maximumf %add3A_78, %mul3A_81 : vector<512x64xf32>
    %swap3A = arith.constant 0 : index
    %swap3A_83 = arith.constant 0 : index
    %swap3A_84 = arith.constant 0 : index
    %swap3A_85 = vector.load %arg6[%swap3A, %swap3A_83, %swap3A_84] : memref<1x512x256xf32, #tpu.memory_space<vmem>>, vector<1x512x64xf32>
    %swap3A_86 = vector.shape_cast %swap3A_85 : vector<1x512x64xf32> to vector<512x64xf32>
    %swap3A_87 = vector.shape_cast %max3A_82 : vector<512x64xf32> to vector<1x512x64xf32>
    tpu.vector_store %arg6[%swap3A, %swap3A_83, %swap3A_84], %swap3A_87 {strides = array<i32>} : memref<1x512x256xf32, #tpu.memory_space<vmem>>, vector<1x512x64xf32>,
    %slice3A_88 = vector.extract_strided_slice %transpose3A {offsets = [1, 0], sizes = [1, 512], strides = [1, 1]} : vector<8x512xf32> to vector<1x512xf32>
    %slice3A_89 = vector.extract_strided_slice %dot_general3A_21 {offsets = [0, 5], sizes = [512, 1], strides = [1, 1]} : vector<512x8xf32> to vector<512x1xf32>
    %slice3A_90 = vector.extract_strided_slice %broadcast_in_dim3A_23 {offsets = [0, 1], sizes = [1, 1], strides = [1, 1]} : vector<1x8xf32> to vector<1x1xf32>
    %add3A_91 = vector.broadcast %slice3A_90 : vector<1x1xf32> to vector<512x1xf32>
    %add3A_92 = arith.addf %slice3A_89, %add3A_91 : vector<512x1xf32>
    %mul3A_93 = arith.constant 2.000000e-01 : f32
    %mul3A_94 = vector.broadcast %mul3A_93 : f32 to vector<512x1xf32>
    %mul3A_95 = arith.mulf %mul3A_94, %add3A_92 : vector<512x1xf32>
    %max3A_96 = arith.maximumf %add3A_92, %mul3A_95 : vector<512x1xf32>
    %neg3A_97 = arith.constant 0.000000e+00 : f32
    %neg3A_98 = vector.broadcast %neg3A_97 : f32 to vector<512x1xf32>
    %neg3A_99 = arith.subf %neg3A_98, %max3A_96 : vector<512x1xf32>
    %add3A_100 = arith.addf %add3A_92, %neg3A_99 : vector<512x1xf32>
    %exp3A_101 = math.exp %add3A_100 : vector<512x1xf32>
    %convert_element_type3A_102 = arith.truncf %exp3A_101 : vector<512x1xf32> to vector<512x1xbf16>
    %mul3A_103 = arith.constant 2.000000e-01 : f32
    %mul3A_104 = vector.broadcast %mul3A_103 : f32 to vector<512x1xf32>
    %mul3A_105 = arith.mulf %mul3A_104, %add3A_92 : vector<512x1xf32>
    %add3A_106 = arith.addf %mul3A_105, %neg3A_99 : vector<512x1xf32>
    %exp3A_107 = math.exp %add3A_106 : vector<512x1xf32>
    %convert_element_type3A_108 = arith.truncf %exp3A_107 : vector<512x1xf32> to vector<512x1xbf16>
    %slice3A_109 = vector.extract_strided_slice %broadcast_in_dim3A_23 {offsets = [0, 1], sizes = [1, 1], strides = [1, 1]} : vector<1x8xf32> to vector<1x1xf32>
    %sub3A_110 = vector.broadcast %slice3A_109 : vector<1x1xf32> to vector<1x512xf32>
    %sub3A_111 = arith.subf %slice3A_88, %sub3A_110 : vector<1x512xf32>
    %exp3A_112 = math.exp %sub3A_111 : vector<1x512xf32>
    %convert_element_type3A_113 = arith.truncf %exp3A_112 : vector<1x512xf32> to vector<1x512xbf16>
    %mul3A_114 = arith.constant 2.000000e-01 : f32
    %mul3A_115 = vector.broadcast %mul3A_114 : f32 to vector<1x512xf32>
    %mul3A_116 = arith.mulf %mul3A_115, %sub3A_111 : vector<1x512xf32>
    %exp3A_117 = math.exp %mul3A_116 : vector<1x512xf32>
    %convert_element_type3A_118 = arith.truncf %exp3A_117 : vector<1x512xf32> to vector<1x512xbf16>
    %mul3A_119 = vector.broadcast %convert_element_type3A_102 : vector<512x1xbf16> to vector<512x512xbf16>
    %mul3A_120 = vector.broadcast %convert_element_type3A_113 : vector<1x512xbf16> to vector<512x512xbf16>
    %mul3A_121 = arith.mulf %mul3A_119, %mul3A_120 : vector<512x512xbf16>
    %mul3A_122 = vector.broadcast %convert_element_type3A_108 : vector<512x1xbf16> to vector<512x512xbf16>
    %mul3A_123 = vector.broadcast %convert_element_type3A_118 : vector<1x512xbf16> to vector<512x512xbf16>
    %mul3A_124 = arith.mulf %mul3A_122, %mul3A_123 : vector<512x512xbf16>
    %max3A_125 = arith.maximumf %mul3A_121, %mul3A_124 : vector<512x512xbf16>
    %mul3A_126 = arith.mulf %max3A_125, %get3A_26 : vector<512x512xbf16>
    %slice3A_127 = vector.extract_strided_slice %concatenate3A {offsets = [0, 65], sizes = [512, 65], strides = [1, 1]} : vector<512x260xbf16> to vector<512x65xbf16>
    %dot_general3A_128 = arith.constant dense<0.000000e+00> : vector<512x65xf32>
    %dot_general3A_129 = tpu.matmul %mul3A_126, %slice3A_127, %dot_general3A_128 {dimension_numbers = #tpu.dot_dimension_numbers<[1], [0], [0], [1], [0, 0, 1, 1], [], []>, transpose_lhs_hint = false} : vector<512x512xbf16>, vector<512x65xbf16>, vector<512x65xf32> -> vector<512x65xf32>
    %slice3A_130 = vector.extract_strided_slice %dot_general3A_129 {offsets = [0, 64], sizes = [512, 1], strides = [1, 1]} : vector<512x65xf32> to vector<512x1xf32>
    %slice3A_131 = vector.extract_strided_slice %dot_general3A_129 {offsets = [0, 0], sizes = [512, 64], strides = [1, 1]} : vector<512x65xf32> to vector<512x64xf32>
    %add3A_132 = arith.constant 1.000000e-16 : f32
    %add3A_133 = vector.broadcast %add3A_132 : f32 to vector<512x1xf32>
    %add3A_134 = arith.addf %slice3A_130, %add3A_133 : vector<512x1xf32>
    %div3A_135 = arith.constant 1.000000e+00 : f32
    %div3A_136 = vector.broadcast %div3A_135 : f32 to vector<512x1xf32>
    %div3A_137 = arith.divf %div3A_136, %add3A_134 : vector<512x1xf32>
    %mul3A_138 = vector.broadcast %div3A_137 : vector<512x1xf32> to vector<512x64xf32>
    %mul3A_139 = arith.mulf %slice3A_131, %mul3A_138 : vector<512x64xf32>
    %get3A_140 = arith.constant 0 : index
    %get3A_141 = arith.constant 64 : index
    %get3A_142 = vector.load %arg5[%get3A_140, %get3A_141] : memref<1x256xf32, #tpu.memory_space<vmem>>, vector<1x64xf32>
    %get3A_143 = vector.shape_cast %get3A_142 : vector<1x64xf32> to vector<64xf32>
    %broadcast_in_dim3A_144 = vector.shape_cast %get3A_143 : vector<64xf32> to vector<1x64xf32>
    %add3A_145 = vector.broadcast %broadcast_in_dim3A_144 : vector<1x64xf32> to vector<512x64xf32>
    %add3A_146 = arith.addf %mul3A_139, %add3A_145 : vector<512x64xf32>
    %mul3A_147 = arith.constant 2.000000e-01 : f32
    %mul3A_148 = vector.broadcast %mul3A_147 : f32 to vector<512x64xf32>
    %mul3A_149 = arith.mulf %mul3A_148, %add3A_146 : vector<512x64xf32>
    %max3A_150 = arith.maximumf %add3A_146, %mul3A_149 : vector<512x64xf32>
    %swap3A_151 = arith.constant 0 : index
    %swap3A_152 = arith.constant 0 : index
    %swap3A_153 = arith.constant 64 : index
    %swap3A_154 = vector.load %arg6[%swap3A_151, %swap3A_152, %swap3A_153] : memref<1x512x256xf32, #tpu.memory_space<vmem>>, vector<1x512x64xf32>
    %swap3A_155 = vector.shape_cast %swap3A_154 : vector<1x512x64xf32> to vector<512x64xf32>
    %swap3A_156 = vector.shape_cast %max3A_150 : vector<512x64xf32> to vector<1x512x64xf32>
    tpu.vector_store %arg6[%swap3A_151, %swap3A_152, %swap3A_153], %swap3A_156 {strides = array<i32>} : memref<1x512x256xf32, #tpu.memory_space<vmem>>, vector<1x512x64xf32>,
    %slice3A_157 = vector.extract_strided_slice %transpose3A {offsets = [2, 0], sizes = [1, 512], strides = [1, 1]} : vector<8x512xf32> to vector<1x512xf32>
    %slice3A_158 = vector.extract_strided_slice %dot_general3A_21 {offsets = [0, 6], sizes = [512, 1], strides = [1, 1]} : vector<512x8xf32> to vector<512x1xf32>
    %slice3A_159 = vector.extract_strided_slice %broadcast_in_dim3A_23 {offsets = [0, 2], sizes = [1, 1], strides = [1, 1]} : vector<1x8xf32> to vector<1x1xf32>
    %add3A_160 = vector.broadcast %slice3A_159 : vector<1x1xf32> to vector<512x1xf32>
    %add3A_161 = arith.addf %slice3A_158, %add3A_160 : vector<512x1xf32>
    %mul3A_162 = arith.constant 2.000000e-01 : f32
    %mul3A_163 = vector.broadcast %mul3A_162 : f32 to vector<512x1xf32>
    %mul3A_164 = arith.mulf %mul3A_163, %add3A_161 : vector<512x1xf32>
    %max3A_165 = arith.maximumf %add3A_161, %mul3A_164 : vector<512x1xf32>
    %neg3A_166 = arith.constant 0.000000e+00 : f32
    %neg3A_167 = vector.broadcast %neg3A_166 : f32 to vector<512x1xf32>
    %neg3A_168 = arith.subf %neg3A_167, %max3A_165 : vector<512x1xf32>
    %add3A_169 = arith.addf %add3A_161, %neg3A_168 : vector<512x1xf32>
    %exp3A_170 = math.exp %add3A_169 : vector<512x1xf32>
    %convert_element_type3A_171 = arith.truncf %exp3A_170 : vector<512x1xf32> to vector<512x1xbf16>
    %mul3A_172 = arith.constant 2.000000e-01 : f32
    %mul3A_173 = vector.broadcast %mul3A_172 : f32 to vector<512x1xf32>
    %mul3A_174 = arith.mulf %mul3A_173, %add3A_161 : vector<512x1xf32>
    %add3A_175 = arith.addf %mul3A_174, %neg3A_168 : vector<512x1xf32>
    %exp3A_176 = math.exp %add3A_175 : vector<512x1xf32>
    %convert_element_type3A_177 = arith.truncf %exp3A_176 : vector<512x1xf32> to vector<512x1xbf16>
    %slice3A_178 = vector.extract_strided_slice %broadcast_in_dim3A_23 {offsets = [0, 2], sizes = [1, 1], strides = [1, 1]} : vector<1x8xf32> to vector<1x1xf32>
    %sub3A_179 = vector.broadcast %slice3A_178 : vector<1x1xf32> to vector<1x512xf32>
    %sub3A_180 = arith.subf %slice3A_157, %sub3A_179 : vector<1x512xf32>
    %exp3A_181 = math.exp %sub3A_180 : vector<1x512xf32>
    %convert_element_type3A_182 = arith.truncf %exp3A_181 : vector<1x512xf32> to vector<1x512xbf16>
    %mul3A_183 = arith.constant 2.000000e-01 : f32
    %mul3A_184 = vector.broadcast %mul3A_183 : f32 to vector<1x512xf32>
    %mul3A_185 = arith.mulf %mul3A_184, %sub3A_180 : vector<1x512xf32>
    %exp3A_186 = math.exp %mul3A_185 : vector<1x512xf32>
    %convert_element_type3A_187 = arith.truncf %exp3A_186 : vector<1x512xf32> to vector<1x512xbf16>
    %mul3A_188 = vector.broadcast %convert_element_type3A_171 : vector<512x1xbf16> to vector<512x512xbf16>
    %mul3A_189 = vector.broadcast %convert_element_type3A_182 : vector<1x512xbf16> to vector<512x512xbf16>
    %mul3A_190 = arith.mulf %mul3A_188, %mul3A_189 : vector<512x512xbf16>
    %mul3A_191 = vector.broadcast %convert_element_type3A_177 : vector<512x1xbf16> to vector<512x512xbf16>
    %mul3A_192 = vector.broadcast %convert_element_type3A_187 : vector<1x512xbf16> to vector<512x512xbf16>
    %mul3A_193 = arith.mulf %mul3A_191, %mul3A_192 : vector<512x512xbf16>
    %max3A_194 = arith.maximumf %mul3A_190, %mul3A_193 : vector<512x512xbf16>
    %mul3A_195 = arith.mulf %max3A_194, %get3A_26 : vector<512x512xbf16>
    %slice3A_196 = vector.extract_strided_slice %concatenate3A {offsets = [0, 130], sizes = [512, 65], strides = [1, 1]} : vector<512x260xbf16> to vector<512x65xbf16>
    %dot_general3A_197 = arith.constant dense<0.000000e+00> : vector<512x65xf32>
    %dot_general3A_198 = tpu.matmul %mul3A_195, %slice3A_196, %dot_general3A_197 {dimension_numbers = #tpu.dot_dimension_numbers<[1], [0], [0], [1], [0, 0, 1, 1], [], []>, transpose_lhs_hint = false} : vector<512x512xbf16>, vector<512x65xbf16>, vector<512x65xf32> -> vector<512x65xf32>
    %slice3A_199 = vector.extract_strided_slice %dot_general3A_198 {offsets = [0, 64], sizes = [512, 1], strides = [1, 1]} : vector<512x65xf32> to vector<512x1xf32>
    %slice3A_200 = vector.extract_strided_slice %dot_general3A_198 {offsets = [0, 0], sizes = [512, 64], strides = [1, 1]} : vector<512x65xf32> to vector<512x64xf32>
    %add3A_201 = arith.constant 1.000000e-16 : f32
    %add3A_202 = vector.broadcast %add3A_201 : f32 to vector<512x1xf32>
    %add3A_203 = arith.addf %slice3A_199, %add3A_202 : vector<512x1xf32>
    %div3A_204 = arith.constant 1.000000e+00 : f32
    %div3A_205 = vector.broadcast %div3A_204 : f32 to vector<512x1xf32>
    %div3A_206 = arith.divf %div3A_205, %add3A_203 : vector<512x1xf32>
    %mul3A_207 = vector.broadcast %div3A_206 : vector<512x1xf32> to vector<512x64xf32>
    %mul3A_208 = arith.mulf %slice3A_200, %mul3A_207 : vector<512x64xf32>
    %get3A_209 = arith.constant 0 : index
    %get3A_210 = arith.constant 128 : index
    %get3A_211 = vector.load %arg5[%get3A_209, %get3A_210] : memref<1x256xf32, #tpu.memory_space<vmem>>, vector<1x64xf32>
    %get3A_212 = vector.shape_cast %get3A_211 : vector<1x64xf32> to vector<64xf32>
    %broadcast_in_dim3A_213 = vector.shape_cast %get3A_212 : vector<64xf32> to vector<1x64xf32>
    %add3A_214 = vector.broadcast %broadcast_in_dim3A_213 : vector<1x64xf32> to vector<512x64xf32>
    %add3A_215 = arith.addf %mul3A_208, %add3A_214 : vector<512x64xf32>
    %mul3A_216 = arith.constant 2.000000e-01 : f32
    %mul3A_217 = vector.broadcast %mul3A_216 : f32 to vector<512x64xf32>
    %mul3A_218 = arith.mulf %mul3A_217, %add3A_215 : vector<512x64xf32>
    %max3A_219 = arith.maximumf %add3A_215, %mul3A_218 : vector<512x64xf32>
    %swap3A_220 = arith.constant 0 : index
    %swap3A_221 = arith.constant 0 : index
    %swap3A_222 = arith.constant 128 : index
    %swap3A_223 = vector.load %arg6[%swap3A_220, %swap3A_221, %swap3A_222] : memref<1x512x256xf32, #tpu.memory_space<vmem>>, vector<1x512x64xf32>
    %swap3A_224 = vector.shape_cast %swap3A_223 : vector<1x512x64xf32> to vector<512x64xf32>
    %swap3A_225 = vector.shape_cast %max3A_219 : vector<512x64xf32> to vector<1x512x64xf32>
    tpu.vector_store %arg6[%swap3A_220, %swap3A_221, %swap3A_222], %swap3A_225 {strides = array<i32>} : memref<1x512x256xf32, #tpu.memory_space<vmem>>, vector<1x512x64xf32>,
    %slice3A_226 = vector.extract_strided_slice %transpose3A {offsets = [3, 0], sizes = [1, 512], strides = [1, 1]} : vector<8x512xf32> to vector<1x512xf32>
    %slice3A_227 = vector.extract_strided_slice %dot_general3A_21 {offsets = [0, 7], sizes = [512, 1], strides = [1, 1]} : vector<512x8xf32> to vector<512x1xf32>
    %slice3A_228 = vector.extract_strided_slice %broadcast_in_dim3A_23 {offsets = [0, 3], sizes = [1, 1], strides = [1, 1]} : vector<1x8xf32> to vector<1x1xf32>
    %add3A_229 = vector.broadcast %slice3A_228 : vector<1x1xf32> to vector<512x1xf32>
    %add3A_230 = arith.addf %slice3A_227, %add3A_229 : vector<512x1xf32>
    %mul3A_231 = arith.constant 2.000000e-01 : f32
    %mul3A_232 = vector.broadcast %mul3A_231 : f32 to vector<512x1xf32>
    %mul3A_233 = arith.mulf %mul3A_232, %add3A_230 : vector<512x1xf32>
    %max3A_234 = arith.maximumf %add3A_230, %mul3A_233 : vector<512x1xf32>
    %neg3A_235 = arith.constant 0.000000e+00 : f32
    %neg3A_236 = vector.broadcast %neg3A_235 : f32 to vector<512x1xf32>
    %neg3A_237 = arith.subf %neg3A_236, %max3A_234 : vector<512x1xf32>
    %add3A_238 = arith.addf %add3A_230, %neg3A_237 : vector<512x1xf32>
    %exp3A_239 = math.exp %add3A_238 : vector<512x1xf32>
    %convert_element_type3A_240 = arith.truncf %exp3A_239 : vector<512x1xf32> to vector<512x1xbf16>
    %mul3A_241 = arith.constant 2.000000e-01 : f32
    %mul3A_242 = vector.broadcast %mul3A_241 : f32 to vector<512x1xf32>
    %mul3A_243 = arith.mulf %mul3A_242, %add3A_230 : vector<512x1xf32>
    %add3A_244 = arith.addf %mul3A_243, %neg3A_237 : vector<512x1xf32>
    %exp3A_245 = math.exp %add3A_244 : vector<512x1xf32>
    %convert_element_type3A_246 = arith.truncf %exp3A_245 : vector<512x1xf32> to vector<512x1xbf16>
    %slice3A_247 = vector.extract_strided_slice %broadcast_in_dim3A_23 {offsets = [0, 3], sizes = [1, 1], strides = [1, 1]} : vector<1x8xf32> to vector<1x1xf32>
    %sub3A_248 = vector.broadcast %slice3A_247 : vector<1x1xf32> to vector<1x512xf32>
    %sub3A_249 = arith.subf %slice3A_226, %sub3A_248 : vector<1x512xf32>
    %exp3A_250 = math.exp %sub3A_249 : vector<1x512xf32>
    %convert_element_type3A_251 = arith.truncf %exp3A_250 : vector<1x512xf32> to vector<1x512xbf16>
    %mul3A_252 = arith.constant 2.000000e-01 : f32
    %mul3A_253 = vector.broadcast %mul3A_252 : f32 to vector<1x512xf32>
    %mul3A_254 = arith.mulf %mul3A_253, %sub3A_249 : vector<1x512xf32>
    %exp3A_255 = math.exp %mul3A_254 : vector<1x512xf32>
    %convert_element_type3A_256 = arith.truncf %exp3A_255 : vector<1x512xf32> to vector<1x512xbf16>
    %mul3A_257 = vector.broadcast %convert_element_type3A_240 : vector<512x1xbf16> to vector<512x512xbf16>
    %mul3A_258 = vector.broadcast %convert_element_type3A_251 : vector<1x512xbf16> to vector<512x512xbf16>
    %mul3A_259 = arith.mulf %mul3A_257, %mul3A_258 : vector<512x512xbf16>
    %mul3A_260 = vector.broadcast %convert_element_type3A_246 : vector<512x1xbf16> to vector<512x512xbf16>
    %mul3A_261 = vector.broadcast %convert_element_type3A_256 : vector<1x512xbf16> to vector<512x512xbf16>
    %mul3A_262 = arith.mulf %mul3A_260, %mul3A_261 : vector<512x512xbf16>
    %max3A_263 = arith.maximumf %mul3A_259, %mul3A_262 : vector<512x512xbf16>
    %mul3A_264 = arith.mulf %max3A_263, %get3A_26 : vector<512x512xbf16>
    %slice3A_265 = vector.extract_strided_slice %concatenate3A {offsets = [0, 195], sizes = [512, 65], strides = [1, 1]} : vector<512x260xbf16> to vector<512x65xbf16>
    %dot_general3A_266 = arith.constant dense<0.000000e+00> : vector<512x65xf32>
    %dot_general3A_267 = tpu.matmul %mul3A_264, %slice3A_265, %dot_general3A_266 {dimension_numbers = #tpu.dot_dimension_numbers<[1], [0], [0], [1], [0, 0, 1, 1], [], []>, transpose_lhs_hint = false} : vector<512x512xbf16>, vector<512x65xbf16>, vector<512x65xf32> -> vector<512x65xf32>
    %slice3A_268 = vector.extract_strided_slice %dot_general3A_267 {offsets = [0, 64], sizes = [512, 1], strides = [1, 1]} : vector<512x65xf32> to vector<512x1xf32>
    %slice3A_269 = vector.extract_strided_slice %dot_general3A_267 {offsets = [0, 0], sizes = [512, 64], strides = [1, 1]} : vector<512x65xf32> to vector<512x64xf32>
    %add3A_270 = arith.constant 1.000000e-16 : f32
    %add3A_271 = vector.broadcast %add3A_270 : f32 to vector<512x1xf32>
    %add3A_272 = arith.addf %slice3A_268, %add3A_271 : vector<512x1xf32>
    %div3A_273 = arith.constant 1.000000e+00 : f32
    %div3A_274 = vector.broadcast %div3A_273 : f32 to vector<512x1xf32>
    %div3A_275 = arith.divf %div3A_274, %add3A_272 : vector<512x1xf32>
    %mul3A_276 = vector.broadcast %div3A_275 : vector<512x1xf32> to vector<512x64xf32>
    %mul3A_277 = arith.mulf %slice3A_269, %mul3A_276 : vector<512x64xf32>
    %get3A_278 = arith.constant 0 : index
    %get3A_279 = arith.constant 192 : index
    %get3A_280 = vector.load %arg5[%get3A_278, %get3A_279] : memref<1x256xf32, #tpu.memory_space<vmem>>, vector<1x64xf32>
    %get3A_281 = vector.shape_cast %get3A_280 : vector<1x64xf32> to vector<64xf32>
    %broadcast_in_dim3A_282 = vector.shape_cast %get3A_281 : vector<64xf32> to vector<1x64xf32>
    %add3A_283 = vector.broadcast %broadcast_in_dim3A_282 : vector<1x64xf32> to vector<512x64xf32>
    %add3A_284 = arith.addf %mul3A_277, %add3A_283 : vector<512x64xf32>
    %mul3A_285 = arith.constant 2.000000e-01 : f32
    %mul3A_286 = vector.broadcast %mul3A_285 : f32 to vector<512x64xf32>
    %mul3A_287 = arith.mulf %mul3A_286, %add3A_284 : vector<512x64xf32>
    %max3A_288 = arith.maximumf %add3A_284, %mul3A_287 : vector<512x64xf32>
    %swap3A_289 = arith.constant 0 : index
    %swap3A_290 = arith.constant 0 : index
    %swap3A_291 = arith.constant 192 : index
    %swap3A_292 = vector.load %arg6[%swap3A_289, %swap3A_290, %swap3A_291] : memref<1x512x256xf32, #tpu.memory_space<vmem>>, vector<1x512x64xf32>
    %swap3A_293 = vector.shape_cast %swap3A_292 : vector<1x512x64xf32> to vector<512x64xf32>
    %swap3A_294 = vector.shape_cast %max3A_288 : vector<512x64xf32> to vector<1x512x64xf32>
    tpu.vector_store %arg6[%swap3A_289, %swap3A_290, %swap3A_291], %swap3A_294 {strides = array<i32>} : memref<1x512x256xf32, #tpu.memory_space<vmem>>, vector<1x512x64xf32>,
    return
  }
  func.func @transform_0(%arg0: i32) -> (i32, i32, i32) {
    %jit3A = arith.constant 32 : i32
    %div3A = arith.divsi %arg0, %jit3A : i32
    %sign3A = arith.constant 0 : i32
    %sign3A_0 = arith.cmpi sgt, %arg0, %sign3A : i32
    %sign3A_1 = arith.extui %sign3A_0 : i1 to i32
    %sign3A_2 = arith.constant 0 : i32
    %sign3A_3 = arith.cmpi slt, %arg0, %sign3A_2 : i32
    %sign3A_4 = arith.extui %sign3A_3 : i1 to i32
    %sign3A_5 = arith.subi %sign3A_1, %sign3A_4 : i32
    %sign3A_6 = arith.constant 0 : i32
    %sign3A_7 = arith.cmpi sgt, %jit3A, %sign3A_6 : i32
    %sign3A_8 = arith.extui %sign3A_7 : i1 to i32
    %sign3A_9 = arith.constant 0 : i32
    %sign3A_10 = arith.cmpi slt, %jit3A, %sign3A_9 : i32
    %sign3A_11 = arith.extui %sign3A_10 : i1 to i32
    %sign3A_12 = arith.subi %sign3A_8, %sign3A_11 : i32
    %ne3A = arith.cmpi ne, %sign3A_5, %sign3A_12 : i32
    %rem3A = arith.remsi %arg0, %jit3A : i32
    %ne3A_13 = arith.constant 0 : i32
    %ne3A_14 = arith.cmpi ne, %rem3A, %ne3A_13 : i32
    %and3A = arith.andi %ne3A, %ne3A_14 : i1
    %sub3A = arith.constant 1 : i32
    %sub3A_15 = arith.subi %div3A, %sub3A : i32
    %select_n3A = arith.select %and3A, %sub3A_15, %div3A : i32
    %jit3A_16 = arith.constant 32 : i32
    %eq3A = arith.constant 0 : i32
    %eq3A_17 = arith.cmpi eq, %jit3A_16, %eq3A : i32
    %jit3A_18 = arith.constant 1 : i32
    %select_n3A_19 = arith.select %eq3A_17, %jit3A_18, %jit3A_16 : i32
    %rem3A_20 = arith.remsi %arg0, %select_n3A_19 : i32
    %ne3A_21 = arith.constant 0 : i32
    %ne3A_22 = arith.cmpi ne, %rem3A_20, %ne3A_21 : i32
    %lt3A = arith.constant 0 : i32
    %lt3A_23 = arith.cmpi slt, %rem3A_20, %lt3A : i32
    %lt3A_24 = arith.constant 0 : i32
    %lt3A_25 = arith.cmpi slt, %select_n3A_19, %lt3A_24 : i32
    %ne3A_26 = arith.xori %lt3A_23, %lt3A_25 : i1
    %and3A_27 = arith.andi %ne3A_26, %ne3A_22 : i1
    %add3A = arith.addi %rem3A_20, %select_n3A_19 : i32
    %select_n3A_28 = arith.select %and3A_27, %add3A, %rem3A_20 : i32
    %c0_i32 = arith.constant 0 : i32
    %c0_i32_29 = arith.constant 0 : i32
    return %select_n3A, %c0_i32, %select_n3A_28 : i32, i32, i32
  }
  func.func @transform_1(%arg0: i32) -> (i32, i32) {
    %c0_i32 = arith.constant 0 : i32
    %c0_i32_0 = arith.constant 0 : i32
    %c0_i32_1 = arith.constant 0 : i32
    return %c0_i32, %c0_i32_0 : i32, i32
  }
  func.func @transform_2(%arg0: i32) -> (i32, i32) {
    %c0_i32 = arith.constant 0 : i32
    %c0_i32_0 = arith.constant 0 : i32
    %c0_i32_1 = arith.constant 0 : i32
    return %c0_i32, %c0_i32_0 : i32, i32
  }
  func.func @transform_3(%arg0: i32) -> (i32, i32) {
    %c0_i32 = arith.constant 0 : i32
    %c0_i32_0 = arith.constant 0 : i32
    %c0_i32_1 = arith.constant 0 : i32
    return %c0_i32, %c0_i32_0 : i32, i32
  }
  func.func @transform_4(%arg0: i32) -> (i32, i32) {
    %c0_i32 = arith.constant 0 : i32
    %c0_i32_0 = arith.constant 0 : i32
    %c0_i32_1 = arith.constant 0 : i32
    return %c0_i32, %c0_i32_0 : i32, i32
  }
  func.func @transform_5(%arg0: i32) -> (i32, i32, i32) {
    %jit3A = arith.constant 32 : i32
    %div3A = arith.divsi %arg0, %jit3A : i32
    %sign3A = arith.constant 0 : i32
    %sign3A_0 = arith.cmpi sgt, %arg0, %sign3A : i32
    %sign3A_1 = arith.extui %sign3A_0 : i1 to i32
    %sign3A_2 = arith.constant 0 : i32
    %sign3A_3 = arith.cmpi slt, %arg0, %sign3A_2 : i32
    %sign3A_4 = arith.extui %sign3A_3 : i1 to i32
    %sign3A_5 = arith.subi %sign3A_1, %sign3A_4 : i32
    %sign3A_6 = arith.constant 0 : i32
    %sign3A_7 = arith.cmpi sgt, %jit3A, %sign3A_6 : i32
    %sign3A_8 = arith.extui %sign3A_7 : i1 to i32
    %sign3A_9 = arith.constant 0 : i32
    %sign3A_10 = arith.cmpi slt, %jit3A, %sign3A_9 : i32
    %sign3A_11 = arith.extui %sign3A_10 : i1 to i32
    %sign3A_12 = arith.subi %sign3A_8, %sign3A_11 : i32
    %ne3A = arith.cmpi ne, %sign3A_5, %sign3A_12 : i32
    %rem3A = arith.remsi %arg0, %jit3A : i32
    %ne3A_13 = arith.constant 0 : i32
    %ne3A_14 = arith.cmpi ne, %rem3A, %ne3A_13 : i32
    %and3A = arith.andi %ne3A, %ne3A_14 : i1
    %sub3A = arith.constant 1 : i32
    %sub3A_15 = arith.subi %div3A, %sub3A : i32
    %select_n3A = arith.select %and3A, %sub3A_15, %div3A : i32
    %jit3A_16 = arith.constant 32 : i32
    %eq3A = arith.constant 0 : i32
    %eq3A_17 = arith.cmpi eq, %jit3A_16, %eq3A : i32
    %jit3A_18 = arith.constant 1 : i32
    %select_n3A_19 = arith.select %eq3A_17, %jit3A_18, %jit3A_16 : i32
    %rem3A_20 = arith.remsi %arg0, %select_n3A_19 : i32
    %ne3A_21 = arith.constant 0 : i32
    %ne3A_22 = arith.cmpi ne, %rem3A_20, %ne3A_21 : i32
    %lt3A = arith.constant 0 : i32
    %lt3A_23 = arith.cmpi slt, %rem3A_20, %lt3A : i32
    %lt3A_24 = arith.constant 0 : i32
    %lt3A_25 = arith.cmpi slt, %select_n3A_19, %lt3A_24 : i32
    %ne3A_26 = arith.xori %lt3A_23, %lt3A_25 : i1
    %and3A_27 = arith.andi %ne3A_26, %ne3A_22 : i1
    %add3A = arith.addi %rem3A_20, %select_n3A_19 : i32
    %select_n3A_28 = arith.select %and3A_27, %add3A, %rem3A_20 : i32
    %c0_i32 = arith.constant 0 : i32
    %c0_i32_29 = arith.constant 0 : i32
    return %select_n3A, %c0_i32, %select_n3A_28 : i32, i32, i32
  }
}

</mosaic_0001>

<sc_bundles>
// kernel: kernel.4.cloned.1.call-start
scs
__scs_entry_jumppad:
0x0: {  	(pc) =	sbr.rel $0x88, $3  }
0x1: {  	(tag) =	ssettag $0x0;
	lr =	simm.s32 $0x1  }
0x2: {  	[smem:$0x3F9B] =	sst lr;
	_ =	strace $0xD0000000  }
0x3: {  	_ = 	snop  }
0x4: {  	_ = 	snop  }
0x5: {  	_ = 	snop  }
0x6: {  	_ = 	snop  }
0x7: {  	_ = 	snop  }
__scs_overlays_trampoline_lowered:
0x8: {  	[smem:$0x3FAA] =	sst s0  }
0x9: {  	[smem:$0x3FAB] =	sst s1  }
0xa: {  	[smem:$0x3FAC] =	sst s2  }
0xb: {  	[smem:$0x3FAD] =	sst s3  }
0xc: {  	[smem:$0x3FAE] =	sst s4  }
0xd: {  	[smem:$0x3FAF] =	sst s5  }
0xe: {  	[smem:$0x3FB0] =	sst s6  }
0xf: {  	[smem:$0x3FB1] =	sst s7  }
0x10: {  	[smem:$0x3FB2] =	sst s8  }
0x11: {  	[smem:$0x3FB3] =	sst s9;
	s0 =	simm.s32 @!p0 $0x0  }
0x12: {  	s1 =	sld [smem:$0x3F99];
	s0 =	simm.s32 @p0 $0x1  }
0x13: {  	[smem:$0x3FB4] =	sst s0;
	s0 =	simm.s32 @!p1 $0x0  }
0x14: {  	s2 =	sld [smem:$0x3F98];
	s0 =	simm.s32 @p1 $0x1  }
0x15: {  	[smem:$0x3FB5] =	sst s0;
	s0 =	simm.s32 @!p2 $0x0  }
0x16: {  	s3 =	sld [smem:$0x3FDB];
	s0 =	simm.s32 @p2 $0x1  }
0x17: {  	s4 =	simm.s32 $0x1BF5;
	[smem:$0x3FB7] =	sst s0  }
0x18: {  	s0 =	sld [smem:$0x3F9A];
	_ =	swait.ge [sflag:s4], $0x0  }
0x19: {  	s7 =	sld [smem:$0x3F9B]  }
0x1a: {  	s8 =	sadd.s32 $0xFFFFE003, lr  }
0x1b: {  	s9 =	sadd.s32 $0xFFFFFEF7, lr;
	s5 =	simm.s32 $0xFFFFFFFF;
	p2 =	slt.u32 s8, $0xFFFFF086  }
0x1c: {  	p1 =	slt.u32 s9, $0xF7A;
	s5 =	simm.s32 @!p2 $0x0  }
0x1d: {  	s5 =	simm.s32 @p1 $0x1;
	p0 =	seq.s32 s7, s2  }
0x1e: {  	s7 =	smul.u32 @!p0 $0xF7A, s2;
	p2 =	seq.s32 @!p0 s5, $0x0  }
0x1f: {  	s9 =	smul.u32 $0xF7A, s1;
	s8 =	simm.s32 @!p0 $0x1BF5;
	p2 =	por !p2, p0  }
0x20: {  	[sflag:s8] =	ssyncset.s32 @!p0 $0xFFFFF086;
	s6 =	sadd.s32 @!p0 s3, s7;
	s7 =	simm.s32 @!p0 $0x108  }
0x21: {  	s3 =	sadd.s32 s3, s9;
	s6 =	sadd.s32 @!p0 $0x88, s6;
	s7 =	simm.s32 @p2 $0x1082  }
0x22: {  	[simem:s7], [sflag:s8] =	dma.local @!p0 [hbm:s6], $0xF7A  }
0x23: {  	s9 =	sor.u32 $0xD0000000, s2;
	s6 =	simm.s32 $0x108;
	_ =	swait.ge @!p0 [sflag:s8], $0x0  }
0x24: {  	s3 =	sadd.s32 $0x88, s3;
	s6 =	simm.s32 @!p1 $0x1082;
	[sflag:s4] =	ssyncset.s32 $0xFFFFF086  }
0x25: {  	[simem:s6], [sflag:s4] =	dma.local [hbm:s3], $0xF7A  }
0x26: {  	[smem:$0x3F9B] =	sst s1;
	(tag) =	ssettag s2;
	_ =	strace s9  }
0x27: {  	s1 =	sld [smem:$0x3FAB]  }
0x28: {  	s2 =	sld [smem:$0x3FAC]  }
0x29: {  	s4 =	sld [smem:$0x3FAE]  }
0x2a: {  	p0 =	seq.s32 s5, $0x0;
	s5 =	sld [smem:$0x3FAF]  }
0x2b: {  	s6 =	sld [smem:$0x3FB0]  }
0x2c: {  	s7 =	sld [smem:$0x3FB1]  }
0x2d: {  	s3 =	simm.s32 $0x108;
	s8 =	sld [smem:$0x3FB2]  }
0x2e: {  	s3 =	simm.s32 @!p0 $0x1082;
	s9 =	sld [smem:$0x3FB3]  }
0x2f: {  	lr =	sadd.s32 s0, s3;
	s0 =	sld [smem:$0x3FAA]  }
0x30: {  	s3 =	sld [smem:$0x3FAD]  }
0x31: {  	[smem:$0x3FB6] =	sst s10  }
0x32: {  	s10 =	sld [smem:$0x3FB4];
	_ =	sdelay $0x3  }
0x33: {  	p0 =	seq.s32 s10, $0x1;
	s10 =	sld [smem:$0x3FB6];
	_ =	sdelay $0x3  }
0x34: {  	[smem:$0x3FB6] =	sst s10  }
0x35: {  	s10 =	sld [smem:$0x3FB5];
	_ =	sdelay $0x3  }
0x36: {  	p1 =	seq.s32 s10, $0x1;
	s10 =	sld [smem:$0x3FB6];
	_ =	sdelay $0x3  }
0x37: {  	[smem:$0x3FB6] =	sst s10  }
0x38: {  	s10 =	sld [smem:$0x3FB7]  }
0x39: {  	_ = 	snop;
	(pc) =	sbr.ind lr, $3  }
0x3a: {  	_ = 	snop  }
0x3b: {  	_ = 	snop  }
0x3c: {  	p2 =	seq.s32 s10, $0x1;
	s10 =	sld [smem:$0x3FB6]  }
0x3d: {  	_ =	shalt  }
0x3e: {  	_ =	shalt  }
0x3f: {  	_ =	shalt  }
0x40: {  	_ =	shalt  }
0x41: {  	_ =	shalt  }
0x42: {  	_ =	shalt  }
0x43: {  	_ =	shalt  }
0x44: {  	_ =	shalt  }
0x45: {  	_ =	shalt  }
0x46: {  	_ =	shalt  }
0x47: {  	_ =	shalt  }
0x48: {  	_ =	shalt  }
0x49: {  	_ =	shalt  }
0x4a: {  	_ =	shalt  }
0x4b: {  	_ =	shalt  }
0x4c: {  	_ =	shalt  }
0x4d: {  	_ =	shalt  }
0x4e: {  	_ =	shalt  }
0x4f: {  	_ =	shalt  }
0x50: {  	_ =	shalt  }
0x51: {  	_ =	shalt  }
0x52: {  	_ =	shalt  }
0x53: {  	_ =	shalt  }
0x54: {  	_ =	shalt  }
0x55: {  	_ =	shalt  }
0x56: {  	_ =	shalt  }
0x57: {  	_ =	shalt  }
0x58: {  	_ =	shalt  }
0x59: {  	_ =	shalt  }
0x5a: {  	_ =	shalt  }
0x5b: {  	_ =	shalt  }
0x5c: {  	_ =	shalt  }
0x5d: {  	_ =	shalt  }
0x5e: {  	_ =	shalt  }
0x5f: {  	_ =	shalt  }
0x60: {  	_ =	shalt  }
0x61: {  	_ =	shalt  }
0x62: {  	_ =	shalt  }
0x63: {  	_ =	shalt  }
0x64: {  	_ =	shalt  }
0x65: {  	_ =	shalt  }
0x66: {  	_ =	shalt  }
0x67: {  	_ =	shalt  }
0x68: {  	_ =	shalt  }
0x69: {  	_ =	shalt  }
0x6a: {  	_ =	shalt  }
0x6b: {  	_ =	shalt  }
0x6c: {  	_ =	shalt  }
0x6d: {  	_ =	shalt  }
0x6e: {  	_ =	shalt  }
0x6f: {  	_ =	shalt  }
0x70: {  	_ =	shalt  }
0x71: {  	_ =	shalt  }
0x72: {  	_ =	shalt  }
0x73: {  	_ =	shalt  }
0x74: {  	_ =	shalt  }
0x75: {  	_ =	shalt  }
0x76: {  	_ =	shalt  }
0x77: {  	_ =	shalt  }
0x78: {  	_ =	shalt  }
0x79: {  	_ =	shalt  }
0x7a: {  	_ =	shalt  }
0x7b: {  	_ =	shalt  }
0x7c: {  	_ =	shalt  }
0x7d: {  	_ =	shalt  }
0x7e: {  	_ =	shalt  }
0x7f: {  	_ =	shalt  }
0x80: {  	_ =	shalt  }
0x81: {  	_ =	shalt  }
0x82: {  	_ =	shalt  }
0x83: {  	_ =	shalt  }
0x84: {  	_ =	shalt  }
0x85: {  	_ =	shalt  }
0x86: {  	_ =	shalt  }
0x87: {  	_ =	shalt  }
.Lfunc_end0:
.L_simem_size_0:
called_computation.1_lowered:
.L_overlay_start_0:
0x88: {  	s2 =	sld [smem:$0x3FD9]  }
0x89: {  	s3 =	sld [smem:$0x3FFE];
	_ =	sdelay $0x1  }
0x8a: {  	s1 =	srdreg.scid  }
0x8b: {  	s0 =	sand.u32 $0x1, s1  }
0x8c: {  	s16 =	sshll.u32 s0, $0xA;
	s2 =	sadd.s32 s3, s2  }
0x8d: {  	s2 =	sadd.s32 s2, s16  }
0x8e: {  	[smem:$0x3FC2] =	sst s2  }
0x8f: {  	_ = 	snop  }
0x90: {  	(tm) =	ssettm $0x1  }
0x91: {  	s17 =	sld [smem:$0x3FFB];
	_ =	sdelay $0x3  }
0x92: {  	_ =	strace s17  }
0x93: {  	s2 =	sld [smem:$0x3FFC];
	_ =	sdelay $0x3  }
0x94: {  	_ =	strace s2  }
0x95: {  	s2 =	sld [smem:$0x3FFD];
	_ =	sdelay $0x3  }
0x96: {  	_ =	strace s2  }
0x97: {  	_ =	strace $0x8FFFFFFF  }
0x98: {  	s18 =	sld [smem:$0x3FDB];
	_ =	sdelay $0x1  }
0x99: {  	s19 =	simm.s32 $_scs_section_size  }
0x9a: {  	s4 =	simm.s32 $_size__tile_overlayer_lowered;
	s5 =	simm.s32 $_tile_overlayer_lowered  }
0x9b: {  	s22 =	simm.s32 $0x1BFF;
	s21 =	sshll.u32 s5, $0x1;
	s2 =	sadd.s32 s19, s18  }
0x9c: {  	s6 =	simm.s32 $0x0;
	s20 =	sshll.u32 s4, $0x1;
	s4 =	sadd.s32 s21, s2  }
0x9d: {  	[timem:s6], [sflag:s22] =	dma.local [hbm:s4], s20  }
0x9e: {  	_ =	swait.ge [sflag:s22], s20  }
0x9f: {  	s3 =	ssub.s32 $0x0, s20;
	[sflag:s22] =	ssyncset.done $0x0  }
0xa0: {  	[sflag:s22] =	ssyncadd.s32 s3;
	_ =	sdelay $0x1  }
0xa1: {  	s23 =	simm.s32 $0x1B8B  }
0xa2: {  	_ =	swait.ge [sflag:s23], $0x1  }
0xa3: {  	[sflag:s23] =	ssyncset.done $0x0  }
0xa4: {  	s25 =	simm.s32 $0x1B8E;
	s24 =	sld [smem:$0x3FFE];
	[sflag:s23] =	ssyncadd.s32 $0xFFFFFFFF  }
0xa5: {  	s26 =	simm.s32 $execute0_lowered;
	[smem:$0x3FD2] =	sst s25  }
0xa6: {  	s4 =	sshll.u32 s26, $0x1;
	_ =	strace $0x80000046;
	[dreg:$0x1] =	wrdreg $0xFFFFFFFF  }
0xa7: {  	s28 =	simm.s32 $_size_execute0_lowered;
	s2 =	sadd.s32 s2, s4;
	[dreg:$0x0] =	wrdreg $0x0  }
0xa8: {  	s4 =	sshll.u32 s28, $0x1;
	[dreg:$0x2] =	wrdreg s2  }
0xa9: {  	[dreg:$0x3] =	wrdreg s4  }
0xaa: {  	[dreg:$0x4] =	wrdreg $0xC0  }
0xab: {  	_ =	task [dreg:s6], $0x5FFFF  }
0xac: {  	[dreg:$0x1] =	wrdreg $0xFFFFFFFF  }
0xad: {  	[dreg:$0x0] =	wrdreg $0x60  }
0xae: {  	[dreg:$0x2] =	wrdreg s24  }
0xaf: {  	[dreg:$0x3] =	wrdreg $0x9  }
0xb0: {  	_ =	task.clear_ibuf [dreg:s6], $0x4FFFF;
	_ =	strace $0x90000046  }
0xb1: {  	s29 =	simm.s32 $0x9;
	_ =	strace $0x80000048  }
0xb2: {  	_ =	swait.ge [sflag:s29], $0x1  }
0xb3: {  	[sflag:s29] =	ssyncadd.s32 $0xFFFFFFFF  }
0xb4: {  	_ =	strace $0x90000048  }
0xb5: {  	_ =	sfence  }
0xb6: {  	s30 =	sld [smem:$0x0];
	_ =	sdelay $0x2  }
0xb7: {  	s31 =	sshll.u32 s1, $0xD;
	s1 =	sshrl.u32 s1, $0x2  }
0xb8: {  	s3 =	sand.u32 $0x4000, s31;
	s1 =	sadd.s32 s1, s30  }
0xb9: {  	s0 =	sor.u32 s3, s0;
	s1 =	sshll.u32 s1, $0x11  }
0xba: {  	s0 =	sor.u32 s1, s0  }
0xbb: {  	s0 =	sadd.s32 $0x8F2B, s0  }
0xbc: {  	[sflag:s0] =	ssyncadd.remote.s32 $0x1  }
0xbd: {  	_ =	sfence.sel $0xFFFF  }
0xbe: {  	[dreg:$0x0] =	wrdreg $0xFFFFFFFF;
	(pc) =	sbr.abs _section_cstart, $3  }
0xbf: {  	[dreg:$0x1] =	wrdreg $0xFFFFFFFF  }
0xc0: {  	_ =	task.clear_ibuf [dreg:s6], $0x2FFFF;
	_ =	strace $0x9FFFFFFF  }
0xc1: {  	(tm) =	ssettm $0x7FFFFFFF  }
tec
execute0_lowered:
.L_overlay_start_1:
0x0: {  	(tag) =	ssettag $0x1  }
0x1: {  	s5 =	rddreg [dreg:$0x0];
	s1 =	simm.s32 $0x0  }
0x2: {  	[smem:$0x7FF] =	sst s1  }
0x3: {  	s0 =	rddreg [dreg:$0x1];
	v5 =	vlaneseq.u32;
	_ =	strace $0x80000047  }
0x4: {  	(xrf1) =	vunique.msk.u32 $0xffff, v5;
	_ =	sdelay $0xd  }
0x5: {  	_, v0, _ =	vpop (xrf1)  }
0x6: {  	v0 =	vxor.u32 $0x80000000, v0  }
0x7: {  	(xrf0) =	vmax.scan.msk.u32 $0xffff, v0;
	_ =	sdelay $0x5  }
0x8: {  	v0, _, _ =	vpop (xrf0)  }
0x9: {  	(v2sf) =	vpush v0, $0xF;
	_ =	sdelay $0x2  }
0xa: {  	vm0 =	vcmask $0x300;
	v0 =	vimm.s32 $0x1380  }
0xb: {  	vm14 =	vcmask $0x704;
	v0 =	vsel vm0, $0x0, v0  }
0xc: {  	vm15 =	vcmask $0xB08;
	v0 =	vsel vm14, $0x80, v0  }
0xd: {  	vm4 =	vcmask $0xF0C;
	v0 =	vsel vm15, $0x100, v0  }
0xe: {  	vm5 =	vcmask $0x1310;
	v0 =	vsel vm4, $0x180, v0  }
0xf: {  	vm6 =	vcmask $0x1714;
	v0 =	vsel vm5, $0x200, v0  }
0x10: {  	vm7 =	vcmask $0x1B18;
	v0 =	vsel vm6, $0x280, v0  }
0x11: {  	s3 =	srdreg.scid;
	vm8 =	vcmask $0x1F1C;
	v0 =	vsel vm7, $0x300, v0  }
0x12: {  	s2 =	stileid.u32;
	vm9 =	vcmask $0x2320;
	s3 =	sand.u32 $0x1, s3;
	v1 =	vsel vm8, $0x380, v0  }
0x13: {  	vm10 =	vcmask $0x2724;
	s4 =	sshll.u32 s2, $0x5;
	s6 =	sshll.u32 s3, $0x4;
	v1 =	vsel vm9, $0x1000, v1  }
0x14: {  	vm11 =	vcmask $0x2B28;
	vm12 =	vcmask $0x2F2C;
	s4 =	sor.u32 s6, s4;
	v1 =	vsel vm10, $0x1080, v1  }
0x15: {  	vm13 =	vcmask $0x3330;
	v2 =	vor.u32 s4, v5;
	v1 =	vsel vm11, $0x1100, v1  }
0x16: {  	v2 =	vand.u32 $0x7F, v2;
	v0 =	vmov s4;
	v1 =	vsel vm12, $0x1180, v1;
	s30 =	spop (v2sf)  }
0x17: {  	s10 =	simm.s32 $0x0;
	s7 =	ssub.s32 $0x2, s3;
	vm14 =	vcmask $0x3734;
	v3 =	vshll.u32 v0, $0x3;
	v1 =	vsel vm13, $0x1200, v1;
	s6 =	sxor.u32 $0x7FFFFFFF, s30  }
0x18: {  	s3 =	sadd.s32 $0x1A00, s5;
	s9 =	sshrl.u32 s7, $0x1;
	vm15 =	vcmask $0x3B38;
	v3 =	vand.u32 $0xC00, v3;
	v1 =	vsel vm14, $0x1280, v1;
	s6 =	sadd.s32 $0x1, s6  }
0x19: {  	s8 =	sshll.u32 s4, $0x6;
	s31 =	ssub.s32 s7, s9;
	s7 =	simm.s32 $0x1;
	v2 =	vor.u32 v2, v3;
	v1 =	vsel vm15, $0x1300, v1;
	v4 =	vmov s6  }
0x1a: {  	s9 =	simm.s32 $0x8000;
	v5 =	vor.u32 $0x2000, v5;
	s4 =	sadd.s32 $0x1200, s5;
	s5 =	sadd.s32 s8, s5;
	v1 =	vor.u32 v1, v2;
	v3 =	vadd.s32 $0x1, v4  }
0x1b: {  	s8 =	simm.s32 $0x4000;
	s5 =	sadd.s32 $0x2200, s5;
	s6 =	smax.u32 s31, $0x1;
	v4 =	vimm.f32 $1.000000000e+00;
	v2 =	vbroadcast v3, $0x0;
	v3 =	vimm.f32 $0.0e+00  }
.LBB2_1:
0x1c: {  	[tilespmem:s1], [sflag:$0x1] =	stream.linear.gather [hbm4b:s3+s1], $0x4000, $0x38;
	[tilespmem:$0xA000] =	vst v63  }
0x1d: {  	_ =	swait.ge [sflag:s7], $0x4000  }
0x1e: {  	[sflag:s7] =	ssyncset.done $0x0  }
0x1f: {  	[sflag:s7] =	ssyncadd.s32 $0xFFFFC000  }
0x20: {  	[tilespmem:s8], [sflag:$0x1] =	stream.linear.gather [hbm4b:s4+s1], $0x4000, $0x38;
	[tilespmem:$0xA000] =	vst v63  }
0x21: {  	_ =	swait.ge [sflag:s7], $0x4000  }
0x22: {  	s11 =	sand.u32 $0x1000, s1;
	s12 =	sand.u32 $0x380, s1;
	[sflag:s7] =	ssyncset.done $0x0  }
0x23: {  	s11 =	sor.u32 s12, s11;
	[sflag:s7] =	ssyncadd.s32 $0xFFFFC000  }
0x24: {  	[tilespmem:s11+$0x8C70] =	vst v3  }
0x25: {  	[tilespmem:s11+$0x8000] =	vst v3  }
0x26: {  	[tilespmem:s11+$0x8010] =	vst v3  }
0x27: {  	[tilespmem:s11+$0x8020] =	vst v3  }
0x28: {  	[tilespmem:s11+$0x8030] =	vst v3  }
0x29: {  	[tilespmem:s11+$0x8040] =	vst v3  }
0x2a: {  	[tilespmem:s11+$0x8050] =	vst v3  }
0x2b: {  	[tilespmem:s11+$0x8060] =	vst v3  }
0x2c: {  	[tilespmem:s11+$0x8070] =	vst v3  }
0x2d: {  	[tilespmem:s11+$0x8400] =	vst v3  }
0x2e: {  	[tilespmem:s11+$0x8410] =	vst v3  }
0x2f: {  	[tilespmem:s11+$0x8420] =	vst v3  }
0x30: {  	[tilespmem:s11+$0x8430] =	vst v3  }
0x31: {  	[tilespmem:s11+$0x8440] =	vst v3  }
0x32: {  	[tilespmem:s11+$0x8450] =	vst v3  }
0x33: {  	[tilespmem:s11+$0x8460] =	vst v3  }
0x34: {  	[tilespmem:s11+$0x8470] =	vst v3  }
0x35: {  	[tilespmem:s11+$0x8800] =	vst v3  }
0x36: {  	[tilespmem:s11+$0x8810] =	vst v3  }
0x37: {  	[tilespmem:s11+$0x8820] =	vst v3  }
0x38: {  	[tilespmem:s11+$0x8830] =	vst v3  }
0x39: {  	[tilespmem:s11+$0x8840] =	vst v3  }
0x3a: {  	[tilespmem:s11+$0x8850] =	vst v3  }
0x3b: {  	[tilespmem:s11+$0x8860] =	vst v3  }
0x3c: {  	[tilespmem:s11+$0x8870] =	vst v3  }
0x3d: {  	[tilespmem:s11+$0x8C00] =	vst v3  }
0x3e: {  	[tilespmem:s11+$0x8C10] =	vst v3  }
0x3f: {  	[tilespmem:s11+$0x8C20] =	vst v3  }
0x40: {  	[tilespmem:s11+$0x8C30] =	vst v3  }
0x41: {  	s13 =	simm.s32 $0x200;
	s12 =	simm.s32 $0x80;
	[tilespmem:s11+$0x8C40] =	vst v3  }
0x42: {  	s14 =	sand.u32 $0x1000, s13;
	s13 =	simm.s32 $0x400;
	s15 =	sand.u32 $0x380, s12;
	[tilespmem:s11+$0x8C50] =	vst v3  }
.LBB2_2:
0x43: {  	p0 =	sne.s32 s13, $0x1E00;
	[tilespmem:s11+$0x8C60] =	vst v3;
	s11 =	sor.u32 s15, s14  }
0x44: {  	[tilespmem:s11+$0x8C70] =	vst v3  }
0x45: {  	[tilespmem:s11+$0x8000] =	vst v3  }
0x46: {  	[tilespmem:s11+$0x8010] =	vst v3  }
0x47: {  	[tilespmem:s11+$0x8020] =	vst v3  }
0x48: {  	[tilespmem:s11+$0x8030] =	vst v3  }
0x49: {  	[tilespmem:s11+$0x8040] =	vst v3  }
0x4a: {  	[tilespmem:s11+$0x8050] =	vst v3  }
0x4b: {  	[tilespmem:s11+$0x8060] =	vst v3  }
0x4c: {  	[tilespmem:s11+$0x8070] =	vst v3  }
0x4d: {  	[tilespmem:s11+$0x8400] =	vst v3  }
0x4e: {  	[tilespmem:s11+$0x8410] =	vst v3  }
0x4f: {  	[tilespmem:s11+$0x8420] =	vst v3  }
0x50: {  	[tilespmem:s11+$0x8430] =	vst v3  }
0x51: {  	[tilespmem:s11+$0x8440] =	vst v3  }
0x52: {  	[tilespmem:s11+$0x8450] =	vst v3  }
0x53: {  	[tilespmem:s11+$0x8460] =	vst v3  }
0x54: {  	[tilespmem:s11+$0x8470] =	vst v3  }
0x55: {  	[tilespmem:s11+$0x8800] =	vst v3  }
0x56: {  	[tilespmem:s11+$0x8810] =	vst v3  }
0x57: {  	[tilespmem:s11+$0x8820] =	vst v3  }
0x58: {  	[tilespmem:s11+$0x8830] =	vst v3  }
0x59: {  	[tilespmem:s11+$0x8840] =	vst v3  }
0x5a: {  	[tilespmem:s11+$0x8850] =	vst v3  }
0x5b: {  	[tilespmem:s11+$0x8860] =	vst v3  }
0x5c: {  	[tilespmem:s11+$0x8870] =	vst v3  }
0x5d: {  	[tilespmem:s11+$0x8C00] =	vst v3  }
.Ltmp0:
0x5e: {  	[tilespmem:s11+$0x8C10] =	vst v3;
	(pc) =	sbr.rel @p0 .LBB2_2-.Ltmp0, $4  }
0x5f: {  	[tilespmem:s11+$0x8C20] =	vst v3  }
0x60: {  	[tilespmem:s11+$0x8C30] =	vst v3  }
0x61: {  	s12 =	sadd.s32 $0x80, s12;
	[tilespmem:s11+$0x8C40] =	vst v3  }
0x62: {  	s14 =	sand.u32 $0x1000, s13;
	s13 =	sadd.s32 $0x200, s13;
	s15 =	sand.u32 $0x380, s12;
	[tilespmem:s11+$0x8C50] =	vst v3  }
0x63: {  	s12 =	sor.u32 s15, s14;
	[tilespmem:s11+$0x8C60] =	vst v3  }
0x64: {  	[tilespmem:s12+$0x8C70] =	vst v3  }
0x65: {  	[tilespmem:s12+$0x8000] =	vst v3  }
0x66: {  	[tilespmem:s12+$0x8010] =	vst v3  }
0x67: {  	[tilespmem:s12+$0x8020] =	vst v3  }
0x68: {  	[tilespmem:s12+$0x8030] =	vst v3  }
0x69: {  	[tilespmem:s12+$0x8040] =	vst v3  }
0x6a: {  	[tilespmem:s12+$0x8050] =	vst v3  }
0x6b: {  	[tilespmem:s12+$0x8060] =	vst v3  }
0x6c: {  	[tilespmem:s12+$0x8070] =	vst v3  }
0x6d: {  	[tilespmem:s12+$0x8400] =	vst v3  }
0x6e: {  	[tilespmem:s12+$0x8410] =	vst v3  }
0x6f: {  	[tilespmem:s12+$0x8420] =	vst v3  }
0x70: {  	[tilespmem:s12+$0x8430] =	vst v3  }
0x71: {  	[tilespmem:s12+$0x8440] =	vst v3  }
0x72: {  	[tilespmem:s12+$0x8450] =	vst v3  }
0x73: {  	[tilespmem:s12+$0x8460] =	vst v3  }
0x74: {  	[tilespmem:s12+$0x8470] =	vst v3  }
0x75: {  	[tilespmem:s12+$0x8800] =	vst v3  }
0x76: {  	[tilespmem:s12+$0x8810] =	vst v3  }
0x77: {  	[tilespmem:s12+$0x8820] =	vst v3  }
0x78: {  	[tilespmem:s12+$0x8830] =	vst v3  }
0x79: {  	[tilespmem:s12+$0x8840] =	vst v3  }
0x7a: {  	[tilespmem:s12+$0x8850] =	vst v3  }
0x7b: {  	[tilespmem:s12+$0x8860] =	vst v3  }
0x7c: {  	[tilespmem:s12+$0x8870] =	vst v3  }
0x7d: {  	[tilespmem:s12+$0x8C00] =	vst v3  }
0x7e: {  	[tilespmem:s12+$0x8C10] =	vst v3  }
0x7f: {  	[tilespmem:s12+$0x8C20] =	vst v3  }
0x80: {  	[tilespmem:s12+$0x8C30] =	vst v3  }
0x81: {  	[tilespmem:s12+$0x8C40] =	vst v3  }
0x82: {  	[tilespmem:s12+$0x8C50] =	vst v3  }
0x83: {  	[tilespmem:s12+$0x8C60] =	vst v3  }
0x84: {  	s11 =	simm.s32 $0x40;
	s12 =	simm.s32 $0x0;
	[tilespmem:v1+s9+$0x0] =	vst.idx.add.f32.msk $0xffff, v4  }
.LBB2_4:
0x85: {  	p0 =	sne.s32 s11, $0xFFC0;
	v6 =	vld [tilespmem:s12+$0x4000];
	_ =	sdelay $0x1  }
0x86: {  	v7 =	vld [tilespmem:s12+$0x0];
	_ =	sdelay $0x2  }
0x87: {  	v6 =	vsub.s32 v6, v0  }
0x88: {  	v8 =	vshll.u32 v6, $0x9  }
0x89: {  	vm0 =	vlt.u32 v6, $0x10;
	v8 =	vadd.s32 v7, v8  }
0x8a: {  	v8 =	vsel vm0, v8, v5  }
0x8b: {  	(xrf1) =	vunique.msk.u32 $0xffff, v8;
	_ =	sdelay $0xa  }
0x8c: {  	v6 =	vnsel vm0, $0x0, v6;
	v7 =	vnsel vm0, $0x0, v7  }
0x8d: {  	v11 =	vshll.u32 v7, $0x3;
	v8 =	vshll.u32 v6, $0x9  }
0x8e: {  	v10 =	vand.u32 $0xFFFFFC00, v11;
	v6 =	vshll.u32 v6, $0x7;
	v8 =	vand.u32 $0xFFFFF000, v8  }
0x8f: {  	v6 =	vand.u32 $0x380, v6;
	v8 =	vadd.s32 v10, v8;
	_, v9, vm1 =	vpop (xrf1)  }
0x90: {  	v7 =	vand.u32 $0x7F, v7;
	v6 =	vor.u32 v6, v8;
	vm0 =	vmand vm0, vm1  }
0x91: {  	v6 =	vor.u32 v7, v6  }
.Ltmp1:
0x92: {  	(pc) =	sbr.rel @p0 .LBB2_4-.Ltmp1, $3  }
0x93: {  	v7 =	vadd.s32 v9, v2  }
0x94: {  	v7 =	vcvt.s32.f32 v7;
	_ =	sdelay $0x1  }
0x95: {  	s12 =	sshra.s32 s11, $0x2;
	s11 =	sadd.s32 $0x40, s11;
	[tilespmem:v6+s9+$0x0] =	vst.idx.add.f32.msk vm0, v7  }
0x96: {  	v6 =	vld [tilespmem:s12+$0x4000];
	_ =	sdelay $0x1  }
0x97: {  	v7 =	vld [tilespmem:s12+$0x0];
	_ =	sdelay $0x2  }
0x98: {  	v6 =	vsub.s32 v6, v0  }
0x99: {  	v8 =	vshll.u32 v6, $0x9  }
0x9a: {  	vm0 =	vlt.u32 v6, $0x10;
	v8 =	vadd.s32 v7, v8  }
0x9b: {  	v8 =	vsel vm0, v8, v5  }
0x9c: {  	(xrf1) =	vunique.msk.u32 $0xffff, v8;
	_ =	sdelay $0xa  }
0x9d: {  	v6 =	vnsel vm0, $0x0, v6;
	v7 =	vnsel vm0, $0x0, v7  }
0x9e: {  	v62 =	vshll.u32 v6, $0x9;
	v9 =	vshll.u32 v7, $0x3  }
0x9f: {  	v6 =	vshll.u32 v6, $0x7;
	v8 =	vand.u32 $0xFFFFF000, v62;
	v9 =	vand.u32 $0xFFFFFC00, v9  }
0xa0: {  	v6 =	vand.u32 $0x380, v6;
	v8 =	vadd.s32 v9, v8;
	_, v63, vm1 =	vpop (xrf1)  }
0xa1: {  	v7 =	vand.u32 $0x7F, v7;
	v6 =	vor.u32 v6, v8;
	vm0 =	vmand vm0, vm1  }
0xa2: {  	v6 =	vor.u32 v7, v6;
	_ =	sdelay $0x1  }
0xa3: {  	v7 =	vadd.s32 v63, v2  }
0xa4: {  	s10 =	sadd.s32 $0x1, s10;
	v7 =	vcvt.s32.f32 v7  }
0xa5: {  	p0 =	sne.s32 s10, s6  }
.Ltmp2:
0xa6: {  	[tilespmem:v6+s9+$0x0] =	vst.idx.add.f32.msk vm0, v7;
	(pc) =	sbr.rel @p0 .LBB2_1-.Ltmp2, $4  }
0xa7: {  	[hbm4b:s5+s1] =	stream.linear.scatter [tilespmem:s9], [sflag:$0x1], $0x2000, $0x38;
	[tilespmem:$0xA000] =	vst v63  }
0xa8: {  	_ =	swait.ge [sflag:s7], $0x2000  }
0xa9: {  	[sflag:s7] =	ssyncset.done $0x0  }
0xaa: {  	[sflag:s7] =	ssyncadd.s32 $0xFFFFE000  }
0xab: {  	_ =	sfence.sel $0x180000  }
0xac: {  	[bflag:$0x0] =	sbarrier.arrive $0xFFFF  }
0xad: {  	p0 =	sne.s32 s2, $0x0;
	_ =	strace $0x90000047  }
0xae: {  	s0 =	sadd.s32 @!p0 $0x100000, s0;
	[bflag:$0x2] =	sbarrier.arrive $0xFFFF  }
0xaf: {  	[sflag:s0] =	ssyncadd.tile.s32 @!p0 $0x1;
	_ =	shalt  }
.Lfunc_end2:
_tile_overlayer_lowered:
.L_overlay_start_2:
0xb0: {  	(tag) =	ssettag $0x2  }
0xb1: {  	s0 =	rddreg [dreg:$0x0];
	s2 =	stileid.u32  }
0xb2: {  	s1 =	rddreg [dreg:$0x1];
	p0 =	sne.s32 s2, $0x0  }
0xb3: {  	s3 =	rddreg [dreg:$0x2];
	[bflag:$0x3] =	sbarrier.arrive $0xFFFF;
	s2 =	simm.s32 @!p0 $0x1C01  }
0xb4: {  	[timem:s3], [sflag:s2] =	dma.local @!p0 [hbm:s0], s1  }
0xb5: {  	s0 =	simm.s32 @!p0 $0x1  }
0xb6: {  	_ =	swait.ge @!p0 [sflag:s0], s1  }
0xb7: {  	s1 =	ssub.s32 @!p0 $0x0, s1;
	[sflag:s0] =	ssyncset.done @!p0 $0x0  }
0xb8: {  	[sflag:s0] =	ssyncadd.s32 @!p0 s1  }
0xb9: {  	[bflag:$0x3] =	sbarrier.arrive $0xFFFF  }
0xba: {  	_ =	shalt  }

// kernel: sparse-core-data-format-call.cloned.1.call-start
scs
called_computation_lowered:
.L_overlay_start_0:
0x0: {  	s2 =	sld [smem:$0x3FD9]  }
0x1: {  	s3 =	sld [smem:$0x3FFE];
	_ =	sdelay $0x1  }
0x2: {  	s1 =	srdreg.scid  }
0x3: {  	s0 =	sand.u32 $0x1, s1  }
0x4: {  	s18 =	sshll.u32 s0, $0xA;
	s2 =	sadd.s32 s3, s2  }
0x5: {  	s2 =	sadd.s32 s2, s18  }
0x6: {  	[smem:$0x3FC2] =	sst s2  }
0x7: {  	_ = 	snop  }
0x8: {  	s2 =	sld [smem:$0x3FD0];
	(tm) =	ssettm $0x1  }
0x9: {  	s19 =	sld [smem:$0x3FFB];
	_ =	sdelay $0x3  }
0xa: {  	_ =	strace s19  }
0xb: {  	s3 =	sld [smem:$0x3FFC];
	_ =	sdelay $0x3  }
0xc: {  	_ =	strace s3  }
0xd: {  	s3 =	sld [smem:$0x3FFD];
	_ =	sdelay $0x3  }
0xe: {  	_ =	strace s3  }
0xf: {  	_ =	strace $0x8FFFFFFF  }
0x10: {  	s20 =	sld [smem:$0x3FDB];
	_ =	sdelay $0x1  }
0x11: {  	s4 =	simm.s32 $_scs_section_size  }
0x12: {  	s5 =	simm.s32 $_size__tile_overlayer_lowered;
	s6 =	simm.s32 $_tile_overlayer_lowered  }
0x13: {  	s23 =	simm.s32 $0x1BFF;
	s22 =	sshll.u32 s6, $0x1;
	s3 =	sadd.s32 s4, s20  }
0x14: {  	s7 =	simm.s32 $0x0;
	s21 =	sshll.u32 s5, $0x1;
	s5 =	sadd.s32 s22, s3  }
0x15: {  	[timem:s7], [sflag:s23] =	dma.local [hbm:s5], s21  }
0x16: {  	_ =	swait.ge [sflag:s23], s21  }
0x17: {  	s4 =	ssub.s32 $0x0, s21;
	[sflag:s23] =	ssyncset.done $0x0  }
0x18: {  	[sflag:s23] =	ssyncadd.s32 s4;
	_ =	sdelay $0x1  }
0x19: {  	s24 =	simm.s32 $0x1B8B  }
0x1a: {  	_ =	swait.ge [sflag:s24], $0x1  }
0x1b: {  	[sflag:s24] =	ssyncset.done $0x0  }
0x1c: {  	s26 =	simm.s32 $0x1B8E;
	s25 =	sld [smem:$0x3FFE];
	[sflag:s24] =	ssyncadd.s32 $0xFFFFFFFF  }
0x1d: {  	s27 =	simm.s32 $execute0_lowered;
	[smem:$0x3FD2] =	sst s26  }
0x1e: {  	s5 =	sshll.u32 s27, $0x1;
	_ =	strace $0x80000049;
	[dreg:$0x1] =	wrdreg $0xFFFFFFFF  }
0x1f: {  	s28 =	simm.s32 $_size_execute0_lowered;
	s3 =	sadd.s32 s3, s5;
	[dreg:$0x0] =	wrdreg $0x0  }
0x20: {  	s5 =	sshll.u32 s28, $0x1;
	[dreg:$0x2] =	wrdreg s3  }
0x21: {  	[dreg:$0x3] =	wrdreg s5  }
0x22: {  	[dreg:$0x4] =	wrdreg $0xC0  }
0x23: {  	_ =	task [dreg:s7], $0x5FFFF  }
0x24: {  	[dreg:$0x1] =	wrdreg $0xFFFFFFFF  }
0x25: {  	[dreg:$0x0] =	wrdreg $0x60  }
0x26: {  	[dreg:$0x2] =	wrdreg s25  }
0x27: {  	[dreg:$0x3] =	wrdreg s2  }
0x28: {  	[dreg:$0x4] =	wrdreg $0x9  }
0x29: {  	_ =	task.clear_ibuf [dreg:s7], $0x5FFFF;
	_ =	strace $0x90000049  }
0x2a: {  	s29 =	simm.s32 $0x9;
	_ =	strace $0x8000004B  }
0x2b: {  	_ =	swait.ge [sflag:s29], $0x1  }
0x2c: {  	[sflag:s29] =	ssyncadd.s32 $0xFFFFFFFF  }
0x2d: {  	_ =	strace $0x9000004B  }
0x2e: {  	_ =	sfence  }
0x2f: {  	s30 =	sld [smem:$0x0];
	_ =	sdelay $0x2  }
0x30: {  	s31 =	sshll.u32 s1, $0xD;
	s1 =	sshrl.u32 s1, $0x2  }
0x31: {  	s3 =	sand.u32 $0x4000, s31;
	s1 =	sadd.s32 s1, s30  }
0x32: {  	s0 =	sor.u32 s3, s0;
	s1 =	sshll.u32 s1, $0x11  }
0x33: {  	s0 =	sor.u32 s1, s0  }
0x34: {  	s0 =	sadd.s32 $0x8F2B, s0  }
0x35: {  	[sflag:s0] =	ssyncadd.remote.s32 $0x1  }
0x36: {  	_ =	sfence.sel $0xFFFF  }
0x37: {  	[dreg:$0x0] =	wrdreg $0xFFFFFFFF;
	(pc) =	sbr.abs _section_cstart, $3  }
0x38: {  	[dreg:$0x1] =	wrdreg $0xFFFFFFFF  }
0x39: {  	_ =	task.clear_ibuf [dreg:s7], $0x2FFFF;
	_ =	strace $0x9FFFFFFF  }
0x3a: {  	(tm) =	ssettm $0x7FFFFFFF  }
0x3b: {  	_ =	shalt  }
tec
execute0_lowered:
.L_overlay_start_1:
0x0: {  	(tag) =	ssettag $0x1  }
0x1: {  	s1 =	rddreg [dreg:$0x0]  }
0x2: {  	s2 =	rddreg [dreg:$0x1]  }
0x3: {  	s0 =	rddreg [dreg:$0x2]  }
0x4: {  	_ =	strace $0x8000004A;
	s4 =	srdreg.scid;
	s6 =	simm.s32 $0x2  }
0x5: {  	s11 =	simm.s32 $0x0;
	p0 =	por $0x0, $0x0;
	s7 =	simm.s32 $0x2000  }
.Ltmp0:
0x6: {  	s12 =	simm.s32 $0x0;
	s9 =	simm.s32 $0x0;
	(pc) =	sbr.rel .LBB1_1-.Ltmp0, $4  }
0x7: {  	s8 =	simm.s32 $0x0;
	s3 =	sadd.s32 $0x1200, s1;
	s5 =	sshll.u32 s4, $0x4  }
0x8: {  	s1 =	stileid.u32;
	s4 =	simm.s32 $0x1;
	s5 =	sand.u32 $0x10, s5  }
0x9: {  	s18 =	simm.s32 $0x0;
	[sflag:s4] =	ssyncpa.u1 $0x0;
	s5 =	sor.u32 s1, s5  }
0xa: {  	[sflag:s6] =	ssyncpa.u1 $0x0;
	s6 =	simm.s32 $0x800;
	s10 =	smov.u32 s5  }
.LBB1_7:
0xb: {  	s13 =	sadd.s32 $0x8, s9  }
0xc: {  	s11 =	sadd.s32 $0x20, s10;
	s15 =	smov.u32 s10;
	p2 =	sgt.s32 s13, $0x1F  }
0xd: {  	p1 =	slt.u32 s8, $0x2;
	s15 =	smov.u32 @p2 s11  }
0xe: {  	s8 =	sadd.s32 $0x1, s8;
	s13 =	simm.s32 @p2 $0x0;
	p2 =	sgt.s32 s15, $0xFF  }
0xf: {  	s15 =	smov.u32 @p2 s5;
	p2 =	sne.s32 s8, $0x22  }
.Ltmp1:
0x10: {  	_ = 	snop;
	(pc) =	sbr.rel @!p2 .LBB1_8-.Ltmp1, $4  }
0x11: {  	s14 =	simm.s32 @!p1 $0x2  }
0x12: {  	s12 =	smov.u32 s10;
	_ =	swait.ge @!p1 [sflag:s14], $0x4000  }
0x13: {  	p0 =	por !p0, !p0;
	s11 =	smov.u32 s9;
	[sflag:s14] =	ssyncset.done @!p1 $0x0  }
0x14: {  	s9 =	smov.u32 s13;
	[sflag:s14] =	ssyncadd.s32 @!p1 $0xFFFFC000;
	s10 =	smov.u32 s15  }
.LBB1_1:
0x15: {  	p1 =	sgt.u32 s8, $0x1F  }
0x16: {  	s13 =	sxor.u32 @!p1 $0xFFFFFFFF, s8;
	s14 =	sshll.u32 @!p1 s10, $0xD  }
0x17: {  	s15 =	sshll.u32 @!p1 s9, $0x8;
	s13 =	sshll.u32 @!p1 s13, $0xE;
	s14 =	sadd.s32 @!p1 s3, s14  }
0x18: {  	s13 =	sand.u32 @!p1 $0x4000, s13;
	s14 =	sadd.s32 @!p1 s15, s14;
	s15 =	simm.s32 @!p1 $0x0  }
0x19: {  	[tilespmem:s13], [sflag:$0x1] =	stream.linear.gather @!p1 [hbm4b:s14+s15], $0x4000, $0x38;
	[tilespmem:$0x10000] =	vst v63  }
0x1a: {  	p1 =	seq.s32 s8, $0x0  }
0x1b: {  	p2 =	seq.s32 @!p1 s8, $0x21  }
0x1c: {  	p1 =	por p1, p2  }
.Ltmp2:
0x1d: {  	_ = 	snop;
	(pc) =	sbr.rel @p1 .LBB1_7-.Ltmp2, $1  }
0x1e: {  	_ =	sdelay $0x3  }
0x1f: {  	s13 =	simm.s32 $0x1  }
0x20: {  	_ =	swait.ge [sflag:s4], $0x4000;
	s31 =	sshll.u32 s8, $0xE;
	p1 =	por $0x0, $0x0  }
0x21: {  	s19 =	simm.s32 $0x0;
	s20 =	simm.s32 $0x0;
	s13 =	simm.s32 @!p0 $0x0  }
0x22: {  	[sflag:s4] =	ssyncset.done $0x0;
	s16 =	sand.u32 $0x4000, s31;
	s13 =	sshll.u32 s13, $0x10  }
0x23: {  	[sflag:s4] =	ssyncadd.s32 $0xFFFFC000;
	s17 =	sshrl.u32 s13, $0x2;
	s13 =	sor.u32 $0x8000, s16  }
0x24: {  	s14 =	sor.u32 $0x40, s17;
	s15 =	sor.u32 $0x8410, s17;
	s17 =	sadd.s32 $0x8400, s17  }
.LBB1_3:
0x25: {  	v1 =	vld [tilespmem:s14+$0xFFFFFFD0]  }
0x26: {  	v2 =	vld [tilespmem:s14+$0x430]  }
0x27: {  	s21 =	sshll.u32 s20, $0xB;
	v4 =	vld [tilespmem:s14+$0xFFFFFFE0]  }
0x28: {  	v7 =	vld [tilespmem:s14+$0xFFFFFFF0];
	v0 =	vmov s21  }
0x29: {  	v8 =	vld [tilespmem:s14+$0x0]  }
0x2a: {  	s30 =	sand.u32 $0x300, s18;
	v9 =	vld [tilespmem:s14+$0x10]  }
0x2b: {  	s22 =	sand.u32 $0x80, s18;
	v10 =	vld [tilespmem:s14+$0x20];
	s21 =	sadd.s32 s30, s16  }
0x2c: {  	v11 =	vld [tilespmem:s14+$0x30];
	s21 =	sadd.s32 s22, s21;
	s22 =	simm.s32 $0x1;
	[tilespmem:s15+$0x60] =	vst v2  }
0x2d: {  	s31 =	sshll.u32 s19, $0x2;
	s22 =	simm.s32 @!p1 $0x0;
	[tilespmem:s15+$0xFFFFFC00] =	vst v1;
	v3 =	vld.idx.msk [tilespmem:v0+s21+$0x400 ss:$0x1], $0xffff  }
0x2e: {  	v6 =	vld [tilespmem:s14+$0x3D0];
	s22 =	sshll.u32 s22, $0x9;
	[tilespmem:s15+$0xFFFFFC10] =	vst v4;
	s21 =	sand.u32 $0xFFFFFC00, s31  }
0x2f: {  	v5 =	vld [tilespmem:s14+$0x3E0];
	[tilespmem:s15+$0xFFFFFC20] =	vst v7;
	s21 =	sor.u32 s22, s21  }
0x30: {  	[tilespmem:s15+$0xFFFFFC30] =	vst v8;
	v4 =	vld [tilespmem:s14+$0x400];
	s21 =	sshrl.u32 s21, $0x2  }
0x31: {  	[tilespmem:s15+$0xFFFFFC40] =	vst v9;
	v1 =	vld [tilespmem:s14+$0x410];
	s21 =	sadd.s32 s21, s17  }
0x32: {  	[tilespmem:s21+$0x0] =	vst v3;
	v3 =	vld [tilespmem:s14+$0x3F0]  }
0x33: {  	s25 =	simm.s32 $0x80;
	s24 =	simm.s32 $0x100;
	[tilespmem:s15+$0xFFFFFC50] =	vst v10;
	v2 =	vld [tilespmem:s14+$0x420]  }
0x34: {  	s23 =	smov.u32 s15;
	s26 =	sand.u32 $0x300, s25;
	v7 =	vld [tilespmem:s14+$0xFFFFFFC0];
	[tilespmem:s15+$0xFFFFFC60] =	vst v11;
	s22 =	sadd.s32 $0x80, s14  }
.LBB1_4:
0x35: {  	p2 =	sne.s32 s24, $0x380;
	v8 =	vld [tilespmem:s22+$0xFFFFFFD0];
	s25 =	sand.u32 $0x80, s25;
	s26 =	sadd.s32 s26, s16;
	[tilespmem:s23+$0x0] =	vst v6  }
0x36: {  	s26 =	sadd.s32 s25, s26;
	v6 =	vld [tilespmem:s22+$0x430];
	[tilespmem:s23+$0x10] =	vst v5;
	s25 =	smov.u32 s24  }
0x37: {  	v5 =	vld.idx.msk [tilespmem:v0+s26+$0x400 ss:$0x1], $0xffff;
	[tilespmem:s23+$0x20] =	vst v3  }
0x38: {  	v3 =	vld [tilespmem:s22+$0xFFFFFFE0];
	[tilespmem:s23+$0x30] =	vst v4  }
0x39: {  	v4 =	vld [tilespmem:s22+$0xFFFFFFF0];
	[tilespmem:s23+$0xFFFFFBF0] =	vst v7  }
0x3a: {  	v7 =	vld [tilespmem:s22+$0x0];
	[tilespmem:s23+$0x40] =	vst v1  }
0x3b: {  	v1 =	vld [tilespmem:s22+$0x10];
	[tilespmem:s23+$0x50] =	vst v2;
	s23 =	sadd.s32 $0x800, s23  }
0x3c: {  	s21 =	sadd.s32 $0x800, s21;
	v2 =	vld [tilespmem:s22+$0x20];
	[tilespmem:s23+$0x60] =	vst v6  }
0x3d: {  	v9 =	vld [tilespmem:s22+$0x30];
	[tilespmem:s21+$0x0] =	vst v5  }
0x3e: {  	[tilespmem:s23+$0xFFFFFC00] =	vst v8;
	v6 =	vld [tilespmem:s22+$0x3D0]  }
0x3f: {  	[tilespmem:s23+$0xFFFFFC10] =	vst v3;
	v5 =	vld [tilespmem:s22+$0x3E0]  }
.Ltmp3:
0x40: {  	[tilespmem:s23+$0xFFFFFC20] =	vst v4;
	v3 =	vld [tilespmem:s22+$0x3F0];
	(pc) =	sbr.rel @p2 .LBB1_4-.Ltmp3, $4  }
0x41: {  	[tilespmem:s23+$0xFFFFFC30] =	vst v7;
	v4 =	vld [tilespmem:s22+$0x400]  }
0x42: {  	[tilespmem:s23+$0xFFFFFC40] =	vst v1;
	v1 =	vld [tilespmem:s22+$0x410]  }
0x43: {  	[tilespmem:s23+$0xFFFFFC50] =	vst v2;
	v2 =	vld [tilespmem:s22+$0x420]  }
0x44: {  	s24 =	sadd.s32 $0x80, s24;
	s26 =	sand.u32 $0x300, s25;
	v7 =	vld [tilespmem:s22+$0xFFFFFFC0];
	[tilespmem:s23+$0xFFFFFC60] =	vst v9;
	s22 =	sadd.s32 $0x80, s22  }
0x45: {  	[tilespmem:s23+$0x0] =	vst v6  }
0x46: {  	[tilespmem:s23+$0x10] =	vst v5  }
0x47: {  	v49 =	vld [tilespmem:s22+$0x430];
	[tilespmem:s23+$0x20] =	vst v3  }
0x48: {  	v50 =	vld [tilespmem:s22+$0xFFFFFFD0];
	[tilespmem:s23+$0x30] =	vst v4  }
0x49: {  	v51 =	vld [tilespmem:s22+$0xFFFFFFE0];
	[tilespmem:s23+$0x40] =	vst v1  }
0x4a: {  	v52 =	vld [tilespmem:s22+$0xFFFFFFF0];
	[tilespmem:s23+$0x50] =	vst v2  }
0x4b: {  	s31 =	sadd.s32 $0x800, s23;
	v53 =	vld [tilespmem:s22+$0x0];
	[tilespmem:s23+$0xFFFFFBF0] =	vst v7  }
0x4c: {  	v54 =	vld [tilespmem:s22+$0x10];
	[tilespmem:s31+$0x60] =	vst v49  }
0x4d: {  	v55 =	vld [tilespmem:s22+$0x20];
	[tilespmem:s31+$0xFFFFFC00] =	vst v50  }
0x4e: {  	v56 =	vld [tilespmem:s22+$0x30];
	[tilespmem:s31+$0xFFFFFC10] =	vst v51  }
0x4f: {  	v57 =	vld [tilespmem:s22+$0x3D0];
	[tilespmem:s31+$0xFFFFFC20] =	vst v52  }
0x50: {  	v58 =	vld [tilespmem:s22+$0x3E0];
	[tilespmem:s31+$0xFFFFFC30] =	vst v53  }
0x51: {  	v59 =	vld [tilespmem:s22+$0x3F0];
	[tilespmem:s31+$0xFFFFFC40] =	vst v54  }
0x52: {  	v60 =	vld [tilespmem:s22+$0x400];
	[tilespmem:s31+$0xFFFFFC50] =	vst v55  }
0x53: {  	v61 =	vld [tilespmem:s22+$0xFFFFFFC0];
	[tilespmem:s31+$0xFFFFFC60] =	vst v56  }
0x54: {  	s24 =	sand.u32 $0x80, s25;
	s30 =	sadd.s32 s26, s16;
	v62 =	vld [tilespmem:s22+$0x410];
	[tilespmem:s31+$0x0] =	vst v57  }
0x55: {  	v63 =	vld [tilespmem:s22+$0x420];
	s20 =	sadd.s32 $0x1, s20;
	s24 =	sadd.s32 s24, s30;
	[tilespmem:s31+$0x10] =	vst v58  }
0x56: {  	p2 =	sne.s32 s20, $0x8;
	v0 =	vld.idx.msk [tilespmem:v0+s24+$0x400 ss:$0x1], $0xffff;
	[tilespmem:s31+$0x20] =	vst v59  }
.Ltmp4:
0x57: {  	[tilespmem:s31+$0x30] =	vst v60;
	(pc) =	sbr.rel @p2 .LBB1_3-.Ltmp4, $4  }
0x58: {  	[tilespmem:s31+$0xFFFFFBF0] =	vst v61  }
0x59: {  	[tilespmem:s31+$0x40] =	vst v62  }
0x5a: {  	s21 =	sadd.s32 $0x800, s21;
	s14 =	sadd.s32 $0x800, s14;
	[tilespmem:s31+$0x50] =	vst v63  }
0x5b: {  	s19 =	sadd.s32 $0x80, s19;
	p1 =	por !p1, !p1;
	s15 =	sadd.s32 $0x80, s15;
	[tilespmem:s21+$0x0] =	vst v0  }
0x5c: {  	s14 =	sshll.u32 s11, $0x8;
	s31 =	sshll.u32 s11, $0x7  }
.Ltmp5:
0x5d: {  	s14 =	sand.u32 $0x1800, s14;
	s11 =	sand.u32 $0x380, s31;
	(pc) =	sbr.rel .LBB1_7-.Ltmp5, $4  }
0x5e: {  	s12 =	sshll.u32 s12, $0xD;
	s11 =	sor.u32 s11, s14  }
0x5f: {  	s12 =	sadd.s32 s2, s12;
	s11 =	sshrl.u32 s11, $0x3  }
0x60: {  	s11 =	sadd.s32 s11, s12  }
0x61: {  	[hbm4b:s11+s6] =	stream.strided.scatter [tilespmem:s13], [sflag:$0x2], $0x4000, s7, s6, $0x38;
	[tilespmem:$0x10000] =	vst v63  }
.LBB1_8:
0x62: {  	_ =	sfence.sel $0x180000  }
0x63: {  	s2 =	simm.s32 $0x1;
	[bflag:$0x0] =	sbarrier.arrive $0xFFFF  }
0x64: {  	s31 =	simm.s32 $0x2;
	[sflag:s2] =	ssyncpa.u1 $0x1  }
0x65: {  	[sflag:s31] =	ssyncpa.u1 $0x1  }
0x66: {  	p0 =	sne.s32 s1, $0x0;
	_ =	strace $0x9000004A  }
0x67: {  	s0 =	sadd.s32 @!p0 $0x100000, s0;
	[bflag:$0x2] =	sbarrier.arrive $0xFFFF  }
0x68: {  	[sflag:s0] =	ssyncadd.tile.s32 @!p0 $0x1;
	_ =	shalt  }
.Lfunc_end1:
_tile_overlayer_lowered:
.L_overlay_start_2:
0x69: {  	(tag) =	ssettag $0x2  }
0x6a: {  	s0 =	rddreg [dreg:$0x0];
	s2 =	stileid.u32  }
0x6b: {  	s1 =	rddreg [dreg:$0x1];
	p0 =	sne.s32 s2, $0x0  }
0x6c: {  	s3 =	rddreg [dreg:$0x2];
	[bflag:$0x3] =	sbarrier.arrive $0xFFFF;
	s2 =	simm.s32 @!p0 $0x1C01  }
0x6d: {  	[timem:s3], [sflag:s2] =	dma.local @!p0 [hbm:s0], s1  }
0x6e: {  	s0 =	simm.s32 @!p0 $0x1  }
0x6f: {  	_ =	swait.ge @!p0 [sflag:s0], s1  }
0x70: {  	s1 =	ssub.s32 @!p0 $0x0, s1;
	[sflag:s0] =	ssyncset.done @!p0 $0x0  }
0x71: {  	[sflag:s0] =	ssyncadd.s32 @!p0 s1  }
0x72: {  	[bflag:$0x3] =	sbarrier.arrive $0xFFFF  }
0x73: {  	_ =	shalt  }

</sc_bundles>
